<compile_context>
chip_gen: v7x
topology: tpu7x:2x2x1
jax: 0.10.2.dev20260603
libtpu: 0.0.44.dev20260713+nightly
codegen_flags: <defaults>
</compile_context>

<pallas_src>
import functools

import jax
import jax.numpy as jnp
from jax import lax
from jax.experimental import pallas as pl
from jax.experimental.pallas import tpu as pltpu
from jax.experimental.pallas import tpu_sc as plsc

_B, _H, _W = 4, 512, 512
_N = _H * _W
_K = max(1, int(_N * 0.1))
_BH = 128
_NH = _H // _BH

_CHUNK = _N // 16

_INTERPRET = False


def _bce_body(pbin_ref, bmask_ref, loss_ref):
    x = pbin_ref[0, 0]
    t = bmask_ref[0, 0]
    loss_ref[0] = (jnp.maximum(x, 0.0) - x * t
                   + jnp.log(1.0 + jnp.exp(-jnp.abs(x))))


def _sums_body(pinst_ref, pdir_ref, bmask_ref, imask_ref, dfield_ref,
               sums_ref, acc_ref):
    b = pl.program_id(0)
    h = pl.program_id(1)

    mx = pinst_ref[0, 0]
    for c in range(1, 10):
        mx = jnp.maximum(mx, pinst_ref[0, c])
    sexp = jnp.exp(pinst_ref[0, 0] - mx)
    for c in range(1, 10):
        sexp = sexp + jnp.exp(pinst_ref[0, c] - mx)
    lse = mx + jnp.log(sexp)
    best_m = imask_ref[0, 0]
    best_logit = pinst_ref[0, 0]
    for c in range(1, 10):
        m = imask_ref[0, c]
        upd = m > best_m
        best_m = jnp.where(upd, m, best_m)
        best_logit = jnp.where(upd, pinst_ref[0, c], best_logit)
    ce = lse - best_logit
    valid = (bmask_ref[0, 0] > 0.5).astype(jnp.float32)
    ce_part = jnp.sum(ce * valid)
    val_part = jnp.sum(valid)

    d0 = dfield_ref[0, 0]
    d1 = dfield_ref[0, 1]
    nrm = jnp.sqrt(d0 * d0 + d1 * d1)
    inv = 1.0 / jnp.maximum(nrm, 1e-6)
    dt0 = d0 * inv
    dt1 = d1 * inv
    dvalid = (nrm * inv > 1e-6).astype(jnp.float32)
    e0 = pdir_ref[0, 0] - dt0
    e1 = pdir_ref[0, 1] - dt1
    dir_part = jnp.sum((e0 * e0 + e1 * e1) * dvalid)
    dval_part = jnp.sum(dvalid)

    first = jnp.logical_and(b == 0, h == 0)

    @pl.when(first)
    def _init():
        acc_ref[0] = ce_part
        acc_ref[1] = val_part
        acc_ref[2] = dir_part
        acc_ref[3] = dval_part

    @pl.when(jnp.logical_not(first))
    def _acc():
        acc_ref[0] = acc_ref[0] + ce_part
        acc_ref[1] = acc_ref[1] + val_part
        acc_ref[2] = acc_ref[2] + dir_part
        acc_ref[3] = acc_ref[3] + dval_part

    last = jnp.logical_and(b == _B - 1, h == _NH - 1)

    @pl.when(last)
    def _emit():
        sums_ref[0, 0] = acc_ref[0]
        sums_ref[0, 1] = acc_ref[1]
        sums_ref[0, 2] = acc_ref[2]
        sums_ref[0, 3] = acc_ref[3]


def _scan_hist(merged_v, r, remk_vec, iota16):
    def sbody(i, carry):
        acc, cnt = carry
        v = 31 - i
        block = merged_v[pl.ds(r * 512 + v * 16, 16)]
        csum = plsc.cumsum(lax.rev(block, (0,))) + acc
        mask = csum >= remk_vec
        cnt = cnt + plsc.all_reduce_population_count(mask)
        acc = acc + jnp.sum(block)
        return acc, cnt

    _, cnt = lax.fori_loop(
        0, 32, sbody, (jnp.float32(0.0), jnp.zeros((16,), jnp.int32)))
    bstar = cnt - 1

    def abody(i, a):
        v = 31 - i
        block = merged_v[pl.ds(r * 512 + v * 16, 16)]
        binid = v * 16 + iota16
        return a + jnp.sum(jnp.where(binid > bstar, block, 0.0))

    cab = lax.fori_loop(0, 32, abody, jnp.float32(0.0))
    return bstar, cab


def _sc_select(loss_hbm, out_hbm, data_v, hist_v, big_v, merged_v,
               outbuf_v, sp_hists):
    c = lax.axis_index("c")
    s = lax.axis_index("s")
    ones16 = jnp.ones((16,), jnp.float32)
    zero16f = jnp.zeros((16,), jnp.float32)
    iota16 = lax.iota(jnp.int32, 16)
    kvec = ones16 * jnp.float32(_K)

    for r in range(2):
        pltpu.sync_copy(
            loss_hbm.at[c * 2 + r, pl.ds(s * _CHUNK, _CHUNK)],
            data_v.at[pl.ds(r * _CHUNK, _CHUNK)])

    def zbody(i, _):
        hist_v[pl.ds(i * 16, 16)] = zero16f
        return 0

    lax.fori_loop(0, 64, zbody, 0)

    def h1(i, _):
        for u in range(4):
            for r in range(2):
                x = data_v[pl.ds(r * _CHUNK + (i * 4 + u) * 16, 16)]
                bits = plsc.bitcast(x, jnp.int32)
                hi = lax.shift_right_logical(bits, 22)
                plsc.addupdate_scatter(hist_v, [hi + r * 512], ones16)
        return 0

    lax.fori_loop(0, _CHUNK // 64, h1, 0)
    pltpu.sync_copy(hist_v, sp_hists.at[pl.ds(s * 1024, 1024)])
    plsc.subcore_barrier()

    @pl.when(s == 0)
    def _scan_level1():
        pltpu.sync_copy(sp_hists, big_v)

        def mbody(j, _):
            acc = big_v[pl.ds(j * 16, 16)]
            for w in range(1, 16):
                acc = acc + big_v[pl.ds(w * 1024 + j * 16, 16)]
            merged_v[pl.ds(j * 16, 16)] = acc
            return 0

        lax.fori_loop(0, 64, mbody, 0)
        for r in range(2):
            bstar, cab = _scan_hist(merged_v, r, kvec, iota16)
            outbuf_v[pl.ds(r * 32, 16)] = lax.shift_left(bstar, 22)
            outbuf_v[pl.ds(r * 32 + 16, 16)] = cab.astype(jnp.int32) * \
                (iota16 * 0 + 1)
        pltpu.sync_copy(outbuf_v, out_hbm.at[pl.ds(c * 64, 64)])


def _bits_to_f32(bits_scalar):
    vecb = jnp.full((8, 128), bits_scalar, dtype=jnp.int32)
    vecf = lax.bitcast_convert_type(vecb, jnp.float32)
    r0 = lax.broadcasted_iota(jnp.int32, (8, 128), 0) == 0
    c0 = lax.broadcasted_iota(jnp.int32, (8, 128), 1) == 0
    return jnp.sum(jnp.where(jnp.logical_and(r0, c0), vecf, 0.0))


def _final_body(loss_ref, thr_ref, sums_ref, out_ref):
    kf = jnp.float32(_K)

    def off(b):
        return (b // 2) * 64 + (b % 2) * 32

    def bisect_pass(p, carry):
        prefix, remk, cab = carry
        step = lax.shift_left(jnp.int32(1), 21 - p)
        new_prefix, new_remk, new_cab = [], [], []
        for b in range(_B):
            bits = lax.bitcast_convert_type(loss_ref[b], jnp.int32)
            mid = prefix[b] + step
            c_mid = jnp.sum((bits >= mid).astype(jnp.float32))
            hi = c_mid - cab[b]
            go_hi = hi >= remk[b]
            new_prefix.append(jnp.where(go_hi, mid, prefix[b]))
            new_cab.append(jnp.where(go_hi, cab[b], c_mid))
            new_remk.append(jnp.where(go_hi, remk[b], remk[b] - hi))
        return tuple(new_prefix), tuple(new_remk), tuple(new_cab)

    prefix, _, _ = lax.fori_loop(
        0, 9, bisect_pass,
        (tuple(thr_ref[off(b)] for b in range(_B)),
         tuple(kf - thr_ref[off(b) + 16].astype(jnp.float32)
               for b in range(_B)),
         tuple(thr_ref[off(b) + 16].astype(jnp.float32) for b in range(_B))))

    lbin_sum = jnp.float32(0.0)
    for b in range(_B):
        v = loss_ref[b]
        bits = lax.bitcast_convert_type(v, jnp.int32)
        tb = prefix[b]
        cgt = jnp.sum((bits > tb).astype(jnp.float32))
        sgt = jnp.sum(jnp.where(bits > tb, v, 0.0))
        tval = _bits_to_f32(tb)
        lbin_sum = lbin_sum + sgt + (kf - cgt) * tval

    l_bin = lbin_sum / jnp.float32(_B * _K)
    l_inst = sums_ref[0, 0] / jnp.maximum(sums_ref[0, 1], 1.0)
    l_dir = sums_ref[0, 2] / jnp.maximum(sums_ref[0, 3], 1.0)
    out_ref[0, 0] = l_bin + l_inst + l_dir


def kernel(p_bin, p_inst, p_dir, binary_mask, instance_masks, direction_field):
    loss_map = pl.pallas_call(
        _bce_body,
        grid=(_B,),
        in_specs=[
            pl.BlockSpec((1, 1, _H, _W), lambda b: (b, 0, 0, 0)),
            pl.BlockSpec((1, 1, _H, _W), lambda b: (b, 0, 0, 0)),
        ],
        out_specs=pl.BlockSpec((1, _H, _W), lambda b: (b, 0, 0)),
        out_shape=jax.ShapeDtypeStruct((_B, _H, _W), jnp.float32),
        interpret=_INTERPRET,
    )(p_bin, binary_mask)

    sc_fn = functools.partial(
        pl.kernel,
        mesh=plsc.VectorSubcoreMesh(core_axis_name="c", subcore_axis_name="s"),
        out_type=jax.ShapeDtypeStruct((128,), jnp.int32),
        compiler_params=pltpu.CompilerParams(needs_layout_passes=False),
        scratch_types=[
            pltpu.VMEM((2 * _CHUNK,), jnp.float32),
            pltpu.VMEM((1024,), jnp.float32),
            pltpu.VMEM((16384,), jnp.float32),
            pltpu.VMEM((1024,), jnp.float32),
            pltpu.VMEM((64,), jnp.int32),
            pltpu.VMEM_SHARED((16384,), jnp.float32),
        ],
    )(_sc_select)
    thr = sc_fn(loss_map.reshape(_B, _N))

    sums = pl.pallas_call(
        _sums_body,
        grid=(_B, _NH),
        in_specs=[
            pl.BlockSpec((1, 10, _BH, _W), lambda b, h: (b, 0, h, 0)),
            pl.BlockSpec((1, 2, _BH, _W), lambda b, h: (b, 0, h, 0)),
            pl.BlockSpec((1, 1, _BH, _W), lambda b, h: (b, 0, h, 0)),
            pl.BlockSpec((1, 10, _BH, _W), lambda b, h: (b, 0, h, 0)),
            pl.BlockSpec((1, 2, _BH, _W), lambda b, h: (b, 0, h, 0)),
        ],
        out_specs=pl.BlockSpec(memory_space=pltpu.SMEM),
        out_shape=jax.ShapeDtypeStruct((1, 4), jnp.float32),
        scratch_shapes=[pltpu.SMEM((4,), jnp.float32)],
        interpret=_INTERPRET,
    )(p_inst, p_dir, binary_mask, instance_masks, direction_field)

    total = pl.pallas_call(
        _final_body,
        in_specs=[
            pl.BlockSpec(memory_space=pltpu.VMEM),
            pl.BlockSpec(memory_space=pltpu.SMEM),
            pl.BlockSpec(memory_space=pltpu.SMEM),
        ],
        out_specs=pl.BlockSpec(memory_space=pltpu.SMEM),
        out_shape=jax.ShapeDtypeStruct((1, 1), jnp.float32),
        interpret=_INTERPRET,
    )(loss_map, thr, sums)

    return total[0, 0]

# --- scband reference (transcript-rebuilt; emitter-appended) ---
"""Pipeline reference for scband-nail-vtonloss-1279900254241 (READ-ONLY COPY).

The authoritative reference and input builder live on the scoring server;
editing this copy changes nothing except your own understanding.
"""

import jax, jax.numpy as jnp
import numpy as np

B, H, W = 4, 512, 512
KEEP_RATIO = 0.1

def setup_inputs(seed: int = 0) -> dict:
    key = jax.random.key(seed)
    k1, k2, k3, k4, k5, k6 = jax.random.split(key, 6)
    return {
        'p_bin': jax.random.normal(k1, (B, 1, H, W), dtype=jnp.float32),
        'p_inst': jax.random.normal(k2, (B, 10, H, W), dtype=jnp.float32),
        'p_dir': jax.random.normal(k3, (B, 2, H, W), dtype=jnp.float32),
        'binary_mask': jax.random.uniform(k4, (B, 1, H, W), dtype=jnp.float32),
        'instance_masks': jax.random.uniform(k5, (B, 10, H, W), dtype=jnp.float32),
        'direction_field': jax.random.normal(k6, (B, 2, H, W), dtype=jnp.float32),
    }

def _bce_with_logits(x, t):
    # numerically stable binary_cross_entropy_with_logits, reduction='none'
    return jnp.maximum(x, 0.0) - x * t + jnp.log1p(jnp.exp(-jnp.abs(x)))

def _lmp_loss(logits, targets, keep_ratio=KEEP_RATIO):
    loss_map = _bce_with_logits(logits, targets)
    b = loss_map.shape[0]
    flat = loss_map.reshape(b, -1)
    k = max(1, int(flat.shape[1] * keep_ratio))
    top_k, _ = jax.lax.top_k(flat, k)
    return jnp.mean(top_k)

def _instance_loss(logits, targets, valid_mask):
    # logits (B,10,H,W); targets one-hot-ish float (B,10,H,W); valid_mask (B,1,H,W)
    target_idx = jnp.argmax(targets, axis=1)            # (B,H,W)
    valid = (valid_mask[:, 0] > 0.5).astype(logits.dtype)  # (B,H,W)
    logp = jax.nn.log_softmax(logits, axis=1)           # (B,10,H,W)
    ce = -jnp.take_along_axis(logp, target_idx[:, None], axis=1)[:, 0]  # (B,H,W)
    denom = jnp.maximum(jnp.sum(valid), 1.0)
    return jnp.sum(ce * valid) / denom

def _direction_loss(pred_dir, target_dir):
    magnitude = jnp.linalg.norm(target_dir, axis=1)     # (B,H,W)
    valid = (magnitude > 1e-6).astype(pred_dir.dtype)
    diff = pred_dir - target_dir
    l2_sq = jnp.sum(diff ** 2, axis=1)                  # (B,H,W)
    denom = jnp.maximum(jnp.sum(valid), 1.0)
    return jnp.sum(l2_sq * valid) / denom

def reference(p_bin, p_inst, p_dir, binary_mask, instance_masks, direction_field):
    # Single pyramid level at target resolution: nearest/bilinear interpolation
    # to the same (H, W) is the identity; direction field still gets normalized.
    norm = jnp.linalg.norm(direction_field, axis=1, keepdims=True)
    dir_t = direction_field / jnp.maximum(norm, 1e-6)
    l_bin = _lmp_loss(p_bin, binary_mask)
    l_inst = _instance_loss(p_inst, instance_masks, binary_mask)
    l_dir = _direction_loss(p_dir, dir_t)
    total_loss = l_bin + l_inst + l_dir
    return total_loss

if __name__ == "__main__":
    import jax
    _d = setup_inputs()
    print(jax.jit(kernel)(*tuple(_d.values())))

</pallas_src>

<mosaic_0001>
#map = affine_map<(d0, d1) -> (0, 0)>
#map1 = affine_map<(d0, d1) -> (0)>
module attributes {stable_mosaic.version = 14 : i64} {
  func.func @_sc_select(%arg0: i32, %arg1: i32, %arg2: memref<4x262144xf32, #tpu.memory_space<hbm>>, %arg3: memref<128xi32, #tpu.memory_space<hbm>>, %arg4: memref<32768xf32, #tpu.memory_space<vmem>>, %arg5: memref<1024xf32, #tpu.memory_space<vmem>>, %arg6: memref<16384xf32, #tpu.memory_space<vmem>>, %arg7: memref<1024xf32, #tpu.memory_space<vmem>>, %arg8: memref<64xi32, #tpu.memory_space<vmem>>, %arg9: memref<16384xf32, #tpu.memory_space<vmem_shared>>) attributes {dimension_semantics = [#tpu.dimension_semantics<core_parallel>, #tpu.dimension_semantics<subcore_parallel>], iteration_bounds = array<i64: 2, 16>, scalar_prefetch = 0 : i64, scratch_operands = 6 : i64, tpu.core_type = #tpu.core_type<sc_vector_subcore>, window_params = [{transform_indices = #map}, {transform_indices = #map1}]} {
    %broadcast_in_dim3A = arith.constant 1.000000e+00 : f32
    %broadcast_in_dim3A_0 = vector.broadcast %broadcast_in_dim3A : f32 to vector<16xf32>
    %broadcast_in_dim3A_1 = arith.constant 0.000000e+00 : f32
    %broadcast_in_dim3A_2 = vector.broadcast %broadcast_in_dim3A_1 : f32 to vector<16xf32>
    %iota3A = tpu.iota {dimensions = array<i32: 0>} : vector<16xi32>
    %mul3A = arith.constant 2.621400e+04 : f32
    %mul3A_3 = vector.broadcast %mul3A : f32 to vector<16xf32>
    %mul3A_4 = arith.mulf %broadcast_in_dim3A_0, %mul3A_3 : vector<16xf32>
    %mul3A_5 = arith.constant 2 : i32
    %mul3A_6 = arith.muli %arg0, %mul3A_5 : i32
    %add3A = arith.constant 0 : i32
    %add3A_7 = arith.addi %mul3A_6, %add3A : i32
    %mul3A_8 = arith.constant 16384 : i32
    %mul3A_9 = arith.muli %arg1, %mul3A_8 : i32
    "tpu.region"() ({
      %run_scoped3A = tpu.sem_alloc : memref<!tpu.dma_semaphore, #tpu.memory_space<semaphore_mem>>
      %dma_start3A = arith.constant 0 : i32
      %dma_start3A_33 = tpu.memref_slice %arg4[%dma_start3A] : memref<32768xf32, #tpu.memory_space<vmem>> -> memref<16384xf32, #tpu.memory_space<vmem>>
      %dma_start3A_34 = tpu.memref_slice %arg2[%add3A_7, %mul3A_9] : memref<4x262144xf32, #tpu.memory_space<hbm>> -> memref<1x16384xf32, #tpu.memory_space<hbm>>
      %dma_start3A_35 = tpu.memref_squeeze %dma_start3A_34 : memref<1x16384xf32, #tpu.memory_space<hbm>> -> memref<16384xf32, #tpu.memory_space<hbm>>
      %dma_start3A_36 = arith.constant 0 : i32
      %dma_start3A_37 = tpu.memref_slice %arg4[%dma_start3A_36] : memref<32768xf32, #tpu.memory_space<vmem>> -> memref<16384xf32, #tpu.memory_space<vmem>>
      %dma_start3A_38 = tpu.memref_slice %arg2[%add3A_7, %mul3A_9] : memref<4x262144xf32, #tpu.memory_space<hbm>> -> memref<1x16384xf32, #tpu.memory_space<hbm>>
      %dma_start3A_39 = tpu.memref_squeeze %dma_start3A_38 : memref<1x16384xf32, #tpu.memory_space<hbm>> -> memref<16384xf32, #tpu.memory_space<hbm>>
      tpu.enqueue_dma source(%dma_start3A_39 : memref<16384xf32, #tpu.memory_space<hbm>>) target(%dma_start3A_37 : memref<16384xf32, #tpu.memory_space<vmem>>) target_semaphore(%run_scoped3A : memref<!tpu.dma_semaphore, #tpu.memory_space<semaphore_mem>>)
      %dma_wait3A = arith.constant 0 : i32
      %dma_wait3A_40 = tpu.memref_slice %arg4[%dma_wait3A] : memref<32768xf32, #tpu.memory_space<vmem>> -> memref<16384xf32, #tpu.memory_space<vmem>>
      %dma_wait3A_41 = tpu.memref_slice %arg2[%add3A_7, %mul3A_9] : memref<4x262144xf32, #tpu.memory_space<hbm>> -> memref<1x16384xf32, #tpu.memory_space<hbm>>
      %dma_wait3A_42 = tpu.memref_squeeze %dma_wait3A_41 : memref<1x16384xf32, #tpu.memory_space<hbm>> -> memref<16384xf32, #tpu.memory_space<hbm>>
      %dma_wait3A_43 = arith.constant 0 : i32
      %dma_wait3A_44 = tpu.memref_slice %arg4[%dma_wait3A_43] : memref<32768xf32, #tpu.memory_space<vmem>> -> memref<16384xf32, #tpu.memory_space<vmem>>
      %dma_wait3A_45 = tpu.memref_slice %arg2[%add3A_7, %mul3A_9] : memref<4x262144xf32, #tpu.memory_space<hbm>> -> memref<1x16384xf32, #tpu.memory_space<hbm>>
      %dma_wait3A_46 = tpu.memref_squeeze %dma_wait3A_45 : memref<1x16384xf32, #tpu.memory_space<hbm>> -> memref<16384xf32, #tpu.memory_space<hbm>>
      tpu.wait_dma2 semaphore(%run_scoped3A : memref<!tpu.dma_semaphore, #tpu.memory_space<semaphore_mem>>) src(%dma_wait3A_46 : memref<16384xf32, #tpu.memory_space<hbm>>) dst(%dma_wait3A_44 : memref<16384xf32, #tpu.memory_space<vmem>>)
      tpu.yield
    }) : () -> ()
    %mul3A_10 = arith.constant 2 : i32
    %mul3A_11 = arith.muli %arg0, %mul3A_10 : i32
    %add3A_12 = arith.constant 1 : i32
    %add3A_13 = arith.addi %mul3A_11, %add3A_12 : i32
    %mul3A_14 = arith.constant 16384 : i32
    %mul3A_15 = arith.muli %arg1, %mul3A_14 : i32
    "tpu.region"() ({
      %run_scoped3A = tpu.sem_alloc : memref<!tpu.dma_semaphore, #tpu.memory_space<semaphore_mem>>
      %dma_start3A = arith.constant 16384 : i32
      %dma_start3A_33 = tpu.memref_slice %arg4[%dma_start3A] : memref<32768xf32, #tpu.memory_space<vmem>> -> memref<16384xf32, #tpu.memory_space<vmem>>
      %dma_start3A_34 = tpu.memref_slice %arg2[%add3A_13, %mul3A_15] : memref<4x262144xf32, #tpu.memory_space<hbm>> -> memref<1x16384xf32, #tpu.memory_space<hbm>>
      %dma_start3A_35 = tpu.memref_squeeze %dma_start3A_34 : memref<1x16384xf32, #tpu.memory_space<hbm>> -> memref<16384xf32, #tpu.memory_space<hbm>>
      %dma_start3A_36 = arith.constant 16384 : i32
      %dma_start3A_37 = tpu.memref_slice %arg4[%dma_start3A_36] : memref<32768xf32, #tpu.memory_space<vmem>> -> memref<16384xf32, #tpu.memory_space<vmem>>
      %dma_start3A_38 = tpu.memref_slice %arg2[%add3A_13, %mul3A_15] : memref<4x262144xf32, #tpu.memory_space<hbm>> -> memref<1x16384xf32, #tpu.memory_space<hbm>>
      %dma_start3A_39 = tpu.memref_squeeze %dma_start3A_38 : memref<1x16384xf32, #tpu.memory_space<hbm>> -> memref<16384xf32, #tpu.memory_space<hbm>>
      tpu.enqueue_dma source(%dma_start3A_39 : memref<16384xf32, #tpu.memory_space<hbm>>) target(%dma_start3A_37 : memref<16384xf32, #tpu.memory_space<vmem>>) target_semaphore(%run_scoped3A : memref<!tpu.dma_semaphore, #tpu.memory_space<semaphore_mem>>)
      %dma_wait3A = arith.constant 16384 : i32
      %dma_wait3A_40 = tpu.memref_slice %arg4[%dma_wait3A] : memref<32768xf32, #tpu.memory_space<vmem>> -> memref<16384xf32, #tpu.memory_space<vmem>>
      %dma_wait3A_41 = tpu.memref_slice %arg2[%add3A_13, %mul3A_15] : memref<4x262144xf32, #tpu.memory_space<hbm>> -> memref<1x16384xf32, #tpu.memory_space<hbm>>
      %dma_wait3A_42 = tpu.memref_squeeze %dma_wait3A_41 : memref<1x16384xf32, #tpu.memory_space<hbm>> -> memref<16384xf32, #tpu.memory_space<hbm>>
      %dma_wait3A_43 = arith.constant 16384 : i32
      %dma_wait3A_44 = tpu.memref_slice %arg4[%dma_wait3A_43] : memref<32768xf32, #tpu.memory_space<vmem>> -> memref<16384xf32, #tpu.memory_space<vmem>>
      %dma_wait3A_45 = tpu.memref_slice %arg2[%add3A_13, %mul3A_15] : memref<4x262144xf32, #tpu.memory_space<hbm>> -> memref<1x16384xf32, #tpu.memory_space<hbm>>
      %dma_wait3A_46 = tpu.memref_squeeze %dma_wait3A_45 : memref<1x16384xf32, #tpu.memory_space<hbm>> -> memref<16384xf32, #tpu.memory_space<hbm>>
      tpu.wait_dma2 semaphore(%run_scoped3A : memref<!tpu.dma_semaphore, #tpu.memory_space<semaphore_mem>>) src(%dma_wait3A_46 : memref<16384xf32, #tpu.memory_space<hbm>>) dst(%dma_wait3A_44 : memref<16384xf32, #tpu.memory_space<vmem>>)
      tpu.yield
    }) : () -> ()
    %scan3A = arith.constant 0 : i32
    %scan3A_16 = arith.constant 0 : i32
    %scan3A_17 = arith.constant 64 : i32
    %scan3A_18 = arith.addi %scan3A_16, %scan3A_17 : i32
    %scan3A_19 = arith.constant 1 : i32
    %scan3A_20 = scf.for %scan3A_33 = %scan3A_16 to %scan3A_18 step %scan3A_19 iter_args(%scan3A_34 = %scan3A) -> (i32)  : i32 {
      %mul3A_35 = arith.constant 16 : i32
      %mul3A_36 = arith.muli %scan3A_33, %mul3A_35 : i32
      %swap3A = arith.index_cast %mul3A_36 : i32 to index
      %swap3A_37 = tpu.vector_load %arg5[%swap3A] {strides = array<i32>} : memref<1024xf32, #tpu.memory_space<vmem>>, vector<16xf32>,
      tpu.vector_store %arg5[%swap3A], %broadcast_in_dim3A_2 {strides = array<i32>} : memref<1024xf32, #tpu.memory_space<vmem>>, vector<16xf32>,
      %scan3A_38 = arith.constant 0 : i32
      scf.yield %scan3A_38 : i32
    }
    %scan3A_21 = arith.constant 64 : i32
    %scan3A_22 = arith.constant 0 : i32
    %scan3A_23 = arith.constant 0 : i32
    %scan3A_24 = arith.constant 256 : i32
    %scan3A_25 = arith.addi %scan3A_23, %scan3A_24 : i32
    %scan3A_26 = arith.constant 1 : i32
    %scan3A_27 = scf.for %scan3A_33 = %scan3A_23 to %scan3A_25 step %scan3A_26 iter_args(%scan3A_34 = %scan3A_22) -> (i32)  : i32 {
      %mul3A_35 = arith.constant 4 : i32
      %mul3A_36 = arith.muli %scan3A_33, %mul3A_35 : i32
      %add3A_37 = arith.constant 0 : i32
      %add3A_38 = arith.addi %mul3A_36, %add3A_37 : i32
      %mul3A_39 = arith.constant 16 : i32
      %mul3A_40 = arith.muli %add3A_38, %mul3A_39 : i32
      %add3A_41 = arith.constant 0 : i32
      %add3A_42 = arith.addi %add3A_41, %mul3A_40 : i32
      %get3A = arith.index_cast %add3A_42 : i32 to index
      %get3A_43 = tpu.vector_load %arg4[%get3A] {strides = array<i32>} : memref<32768xf32, #tpu.memory_space<vmem>>, vector<16xf32>,
      %bitcast3A = vector.bitcast %get3A_43 : vector<16xf32> to vector<16xi32>
      %shift_right_logical3A = arith.constant 22 : i32
      %shift_right_logical3A_44 = vector.broadcast %shift_right_logical3A : i32 to vector<16xi32>
      %shift_right_logical3A_45 = arith.shrui %bitcast3A, %shift_right_logical3A_44 : vector<16xi32>
      %add3A_46 = arith.constant 0 : i32
      %add3A_47 = vector.broadcast %add3A_46 : i32 to vector<16xi32>
      %add3A_48 = arith.addi %shift_right_logical3A_45, %add3A_47 : vector<16xi32>
      tpu.vector_store_idx %arg5[%add3A_48], %broadcast_in_dim3A_0 {add = true} : memref<1024xf32, #tpu.memory_space<vmem>>[vector<16xi32>], vector<16xf32>,
      %mul3A_49 = arith.constant 4 : i32
      %mul3A_50 = arith.muli %scan3A_33, %mul3A_49 : i32
      %add3A_51 = arith.constant 0 : i32
      %add3A_52 = arith.addi %mul3A_50, %add3A_51 : i32
      %mul3A_53 = arith.constant 16 : i32
      %mul3A_54 = arith.muli %add3A_52, %mul3A_53 : i32
      %add3A_55 = arith.constant 16384 : i32
      %add3A_56 = arith.addi %add3A_55, %mul3A_54 : i32
      %get3A_57 = arith.index_cast %add3A_56 : i32 to index
      %get3A_58 = tpu.vector_load %arg4[%get3A_57] {strides = array<i32>} : memref<32768xf32, #tpu.memory_space<vmem>>, vector<16xf32>,
      %bitcast3A_59 = vector.bitcast %get3A_58 : vector<16xf32> to vector<16xi32>
      %shift_right_logical3A_60 = arith.constant 22 : i32
      %shift_right_logical3A_61 = vector.broadcast %shift_right_logical3A_60 : i32 to vector<16xi32>
      %shift_right_logical3A_62 = arith.shrui %bitcast3A_59, %shift_right_logical3A_61 : vector<16xi32>
      %add3A_63 = arith.constant 512 : i32
      %add3A_64 = vector.broadcast %add3A_63 : i32 to vector<16xi32>
      %add3A_65 = arith.addi %shift_right_logical3A_62, %add3A_64 : vector<16xi32>
      tpu.vector_store_idx %arg5[%add3A_65], %broadcast_in_dim3A_0 {add = true} : memref<1024xf32, #tpu.memory_space<vmem>>[vector<16xi32>], vector<16xf32>,
      %mul3A_66 = arith.constant 4 : i32
      %mul3A_67 = arith.muli %scan3A_33, %mul3A_66 : i32
      %add3A_68 = arith.constant 1 : i32
      %add3A_69 = arith.addi %mul3A_67, %add3A_68 : i32
      %mul3A_70 = arith.constant 16 : i32
      %mul3A_71 = arith.muli %add3A_69, %mul3A_70 : i32
      %add3A_72 = arith.constant 0 : i32
      %add3A_73 = arith.addi %add3A_72, %mul3A_71 : i32
      %get3A_74 = arith.index_cast %add3A_73 : i32 to index
      %get3A_75 = tpu.vector_load %arg4[%get3A_74] {strides = array<i32>} : memref<32768xf32, #tpu.memory_space<vmem>>, vector<16xf32>,
      %bitcast3A_76 = vector.bitcast %get3A_75 : vector<16xf32> to vector<16xi32>
      %shift_right_logical3A_77 = arith.constant 22 : i32
      %shift_right_logical3A_78 = vector.broadcast %shift_right_logical3A_77 : i32 to vector<16xi32>
      %shift_right_logical3A_79 = arith.shrui %bitcast3A_76, %shift_right_logical3A_78 : vector<16xi32>
      %add3A_80 = arith.constant 0 : i32
      %add3A_81 = vector.broadcast %add3A_80 : i32 to vector<16xi32>
      %add3A_82 = arith.addi %shift_right_logical3A_79, %add3A_81 : vector<16xi32>
      tpu.vector_store_idx %arg5[%add3A_82], %broadcast_in_dim3A_0 {add = true} : memref<1024xf32, #tpu.memory_space<vmem>>[vector<16xi32>], vector<16xf32>,
      %mul3A_83 = arith.constant 4 : i32
      %mul3A_84 = arith.muli %scan3A_33, %mul3A_83 : i32
      %add3A_85 = arith.constant 1 : i32
      %add3A_86 = arith.addi %mul3A_84, %add3A_85 : i32
      %mul3A_87 = arith.constant 16 : i32
      %mul3A_88 = arith.muli %add3A_86, %mul3A_87 : i32
      %add3A_89 = arith.constant 16384 : i32
      %add3A_90 = arith.addi %add3A_89, %mul3A_88 : i32
      %get3A_91 = arith.index_cast %add3A_90 : i32 to index
      %get3A_92 = tpu.vector_load %arg4[%get3A_91] {strides = array<i32>} : memref<32768xf32, #tpu.memory_space<vmem>>, vector<16xf32>,
      %bitcast3A_93 = vector.bitcast %get3A_92 : vector<16xf32> to vector<16xi32>
      %shift_right_logical3A_94 = arith.constant 22 : i32
      %shift_right_logical3A_95 = vector.broadcast %shift_right_logical3A_94 : i32 to vector<16xi32>
      %shift_right_logical3A_96 = arith.shrui %bitcast3A_93, %shift_right_logical3A_95 : vector<16xi32>
      %add3A_97 = arith.constant 512 : i32
      %add3A_98 = vector.broadcast %add3A_97 : i32 to vector<16xi32>
      %add3A_99 = arith.addi %shift_right_logical3A_96, %add3A_98 : vector<16xi32>
      tpu.vector_store_idx %arg5[%add3A_99], %broadcast_in_dim3A_0 {add = true} : memref<1024xf32, #tpu.memory_space<vmem>>[vector<16xi32>], vector<16xf32>,
      %mul3A_100 = arith.constant 4 : i32
      %mul3A_101 = arith.muli %scan3A_33, %mul3A_100 : i32
      %add3A_102 = arith.constant 2 : i32
      %add3A_103 = arith.addi %mul3A_101, %add3A_102 : i32
      %mul3A_104 = arith.constant 16 : i32
      %mul3A_105 = arith.muli %add3A_103, %mul3A_104 : i32
      %add3A_106 = arith.constant 0 : i32
      %add3A_107 = arith.addi %add3A_106, %mul3A_105 : i32
      %get3A_108 = arith.index_cast %add3A_107 : i32 to index
      %get3A_109 = tpu.vector_load %arg4[%get3A_108] {strides = array<i32>} : memref<32768xf32, #tpu.memory_space<vmem>>, vector<16xf32>,
      %bitcast3A_110 = vector.bitcast %get3A_109 : vector<16xf32> to vector<16xi32>
      %shift_right_logical3A_111 = arith.constant 22 : i32
      %shift_right_logical3A_112 = vector.broadcast %shift_right_logical3A_111 : i32 to vector<16xi32>
      %shift_right_logical3A_113 = arith.shrui %bitcast3A_110, %shift_right_logical3A_112 : vector<16xi32>
      %add3A_114 = arith.constant 0 : i32
      %add3A_115 = vector.broadcast %add3A_114 : i32 to vector<16xi32>
      %add3A_116 = arith.addi %shift_right_logical3A_113, %add3A_115 : vector<16xi32>
      tpu.vector_store_idx %arg5[%add3A_116], %broadcast_in_dim3A_0 {add = true} : memref<1024xf32, #tpu.memory_space<vmem>>[vector<16xi32>], vector<16xf32>,
      %mul3A_117 = arith.constant 4 : i32
      %mul3A_118 = arith.muli %scan3A_33, %mul3A_117 : i32
      %add3A_119 = arith.constant 2 : i32
      %add3A_120 = arith.addi %mul3A_118, %add3A_119 : i32
      %mul3A_121 = arith.constant 16 : i32
      %mul3A_122 = arith.muli %add3A_120, %mul3A_121 : i32
      %add3A_123 = arith.constant 16384 : i32
      %add3A_124 = arith.addi %add3A_123, %mul3A_122 : i32
      %get3A_125 = arith.index_cast %add3A_124 : i32 to index
      %get3A_126 = tpu.vector_load %arg4[%get3A_125] {strides = array<i32>} : memref<32768xf32, #tpu.memory_space<vmem>>, vector<16xf32>,
      %bitcast3A_127 = vector.bitcast %get3A_126 : vector<16xf32> to vector<16xi32>
      %shift_right_logical3A_128 = arith.constant 22 : i32
      %shift_right_logical3A_129 = vector.broadcast %shift_right_logical3A_128 : i32 to vector<16xi32>
      %shift_right_logical3A_130 = arith.shrui %bitcast3A_127, %shift_right_logical3A_129 : vector<16xi32>
      %add3A_131 = arith.constant 512 : i32
      %add3A_132 = vector.broadcast %add3A_131 : i32 to vector<16xi32>
      %add3A_133 = arith.addi %shift_right_logical3A_130, %add3A_132 : vector<16xi32>
      tpu.vector_store_idx %arg5[%add3A_133], %broadcast_in_dim3A_0 {add = true} : memref<1024xf32, #tpu.memory_space<vmem>>[vector<16xi32>], vector<16xf32>,
      %mul3A_134 = arith.constant 4 : i32
      %mul3A_135 = arith.muli %scan3A_33, %mul3A_134 : i32
      %add3A_136 = arith.constant 3 : i32
      %add3A_137 = arith.addi %mul3A_135, %add3A_136 : i32
      %mul3A_138 = arith.constant 16 : i32
      %mul3A_139 = arith.muli %add3A_137, %mul3A_138 : i32
      %add3A_140 = arith.constant 0 : i32
      %add3A_141 = arith.addi %add3A_140, %mul3A_139 : i32
      %get3A_142 = arith.index_cast %add3A_141 : i32 to index
      %get3A_143 = tpu.vector_load %arg4[%get3A_142] {strides = array<i32>} : memref<32768xf32, #tpu.memory_space<vmem>>, vector<16xf32>,
      %bitcast3A_144 = vector.bitcast %get3A_143 : vector<16xf32> to vector<16xi32>
      %shift_right_logical3A_145 = arith.constant 22 : i32
      %shift_right_logical3A_146 = vector.broadcast %shift_right_logical3A_145 : i32 to vector<16xi32>
      %shift_right_logical3A_147 = arith.shrui %bitcast3A_144, %shift_right_logical3A_146 : vector<16xi32>
      %add3A_148 = arith.constant 0 : i32
      %add3A_149 = vector.broadcast %add3A_148 : i32 to vector<16xi32>
      %add3A_150 = arith.addi %shift_right_logical3A_147, %add3A_149 : vector<16xi32>
      tpu.vector_store_idx %arg5[%add3A_150], %broadcast_in_dim3A_0 {add = true} : memref<1024xf32, #tpu.memory_space<vmem>>[vector<16xi32>], vector<16xf32>,
      %mul3A_151 = arith.constant 4 : i32
      %mul3A_152 = arith.muli %scan3A_33, %mul3A_151 : i32
      %add3A_153 = arith.constant 3 : i32
      %add3A_154 = arith.addi %mul3A_152, %add3A_153 : i32
      %mul3A_155 = arith.constant 16 : i32
      %mul3A_156 = arith.muli %add3A_154, %mul3A_155 : i32
      %add3A_157 = arith.constant 16384 : i32
      %add3A_158 = arith.addi %add3A_157, %mul3A_156 : i32
      %get3A_159 = arith.index_cast %add3A_158 : i32 to index
      %get3A_160 = tpu.vector_load %arg4[%get3A_159] {strides = array<i32>} : memref<32768xf32, #tpu.memory_space<vmem>>, vector<16xf32>,
      %bitcast3A_161 = vector.bitcast %get3A_160 : vector<16xf32> to vector<16xi32>
      %shift_right_logical3A_162 = arith.constant 22 : i32
      %shift_right_logical3A_163 = vector.broadcast %shift_right_logical3A_162 : i32 to vector<16xi32>
      %shift_right_logical3A_164 = arith.shrui %bitcast3A_161, %shift_right_logical3A_163 : vector<16xi32>
      %add3A_165 = arith.constant 512 : i32
      %add3A_166 = vector.broadcast %add3A_165 : i32 to vector<16xi32>
      %add3A_167 = arith.addi %shift_right_logical3A_164, %add3A_166 : vector<16xi32>
      tpu.vector_store_idx %arg5[%add3A_167], %broadcast_in_dim3A_0 {add = true} : memref<1024xf32, #tpu.memory_space<vmem>>[vector<16xi32>], vector<16xf32>,
      %scan3A_168 = arith.constant 0 : i32
      scf.yield %scan3A_168 : i32
    }
    %scan3A_28 = arith.constant 256 : i32
    %mul3A_29 = arith.constant 1024 : i32
    %mul3A_30 = arith.muli %arg1, %mul3A_29 : i32
    "tpu.region"() ({
      %run_scoped3A = tpu.sem_alloc : memref<!tpu.dma_semaphore, #tpu.memory_space<semaphore_mem>>
      %dma_start3A = tpu.memref_slice %arg9[%mul3A_30] : memref<16384xf32, #tpu.memory_space<vmem_shared>> -> memref<1024xf32, #tpu.memory_space<vmem_shared>>
      %dma_start3A_33 = tpu.memref_slice %arg9[%mul3A_30] : memref<16384xf32, #tpu.memory_space<vmem_shared>> -> memref<1024xf32, #tpu.memory_space<vmem_shared>>
      tpu.enqueue_dma source(%arg5 : memref<1024xf32, #tpu.memory_space<vmem>>) target(%dma_start3A_33 : memref<1024xf32, #tpu.memory_space<vmem_shared>>) target_semaphore(%run_scoped3A : memref<!tpu.dma_semaphore, #tpu.memory_space<semaphore_mem>>)
      %dma_wait3A = tpu.memref_slice %arg9[%mul3A_30] : memref<16384xf32, #tpu.memory_space<vmem_shared>> -> memref<1024xf32, #tpu.memory_space<vmem_shared>>
      %dma_wait3A_34 = tpu.memref_slice %arg9[%mul3A_30] : memref<16384xf32, #tpu.memory_space<vmem_shared>> -> memref<1024xf32, #tpu.memory_space<vmem_shared>>
      tpu.wait_dma2 semaphore(%run_scoped3A : memref<!tpu.dma_semaphore, #tpu.memory_space<semaphore_mem>>) src(%arg5 : memref<1024xf32, #tpu.memory_space<vmem>>) dst(%dma_wait3A_34 : memref<1024xf32, #tpu.memory_space<vmem_shared>>)
      tpu.yield
    }) : () -> ()
    %barrier3A = arith.constant 0 : index
    tpu.barrier barrier_id(%barrier3A)
    %eq3A = arith.constant 0 : i32
    %eq3A_31 = arith.cmpi eq, %arg1, %eq3A : i32
    %convert_element_type3A = arith.extui %eq3A_31 : i1 to i32
    %cond3A = arith.constant 0 : i32
    %cond3A_32 = arith.cmpi ne, %convert_element_type3A, %cond3A : i32
    scf.if %cond3A_32 {
      "tpu.region"() ({
        %run_scoped3A = tpu.sem_alloc : memref<!tpu.dma_semaphore, #tpu.memory_space<semaphore_mem>>
        tpu.enqueue_dma source(%arg9 : memref<16384xf32, #tpu.memory_space<vmem_shared>>) target(%arg6 : memref<16384xf32, #tpu.memory_space<vmem>>) target_semaphore(%run_scoped3A : memref<!tpu.dma_semaphore, #tpu.memory_space<semaphore_mem>>)
        tpu.wait_dma2 semaphore(%run_scoped3A : memref<!tpu.dma_semaphore, #tpu.memory_space<semaphore_mem>>) src(%arg9 : memref<16384xf32, #tpu.memory_space<vmem_shared>>) dst(%arg6 : memref<16384xf32, #tpu.memory_space<vmem>>)
        tpu.yield
      }) : () -> ()
      %scan3A_33 = arith.constant 0 : i32
      %scan3A_34 = arith.constant 0 : i32
      %scan3A_35 = arith.constant 64 : i32
      %scan3A_36 = arith.addi %scan3A_34, %scan3A_35 : i32
      %scan3A_37 = arith.constant 1 : i32
      %scan3A_38 = scf.for %scan3A_109 = %scan3A_34 to %scan3A_36 step %scan3A_37 iter_args(%scan3A_110 = %scan3A_33) -> (i32)  : i32 {
        %mul3A_111 = arith.constant 16 : i32
        %mul3A_112 = arith.muli %scan3A_109, %mul3A_111 : i32
        %get3A = arith.index_cast %mul3A_112 : i32 to index
        %get3A_113 = tpu.vector_load %arg6[%get3A] {strides = array<i32>} : memref<16384xf32, #tpu.memory_space<vmem>>, vector<16xf32>,
        %mul3A_114 = arith.constant 16 : i32
        %mul3A_115 = arith.muli %scan3A_109, %mul3A_114 : i32
        %add3A_116 = arith.constant 1024 : i32
        %add3A_117 = arith.addi %add3A_116, %mul3A_115 : i32
        %get3A_118 = arith.index_cast %add3A_117 : i32 to index
        %get3A_119 = tpu.vector_load %arg6[%get3A_118] {strides = array<i32>} : memref<16384xf32, #tpu.memory_space<vmem>>, vector<16xf32>,
        %add3A_120 = arith.addf %get3A_113, %get3A_119 : vector<16xf32>
        %mul3A_121 = arith.constant 16 : i32
        %mul3A_122 = arith.muli %scan3A_109, %mul3A_121 : i32
        %add3A_123 = arith.constant 2048 : i32
        %add3A_124 = arith.addi %add3A_123, %mul3A_122 : i32
        %get3A_125 = arith.index_cast %add3A_124 : i32 to index
        %get3A_126 = tpu.vector_load %arg6[%get3A_125] {strides = array<i32>} : memref<16384xf32, #tpu.memory_space<vmem>>, vector<16xf32>,
        %add3A_127 = arith.addf %add3A_120, %get3A_126 : vector<16xf32>
        %mul3A_128 = arith.constant 16 : i32
        %mul3A_129 = arith.muli %scan3A_109, %mul3A_128 : i32
        %add3A_130 = arith.constant 3072 : i32
        %add3A_131 = arith.addi %add3A_130, %mul3A_129 : i32
        %get3A_132 = arith.index_cast %add3A_131 : i32 to index
        %get3A_133 = tpu.vector_load %arg6[%get3A_132] {strides = array<i32>} : memref<16384xf32, #tpu.memory_space<vmem>>, vector<16xf32>,
        %add3A_134 = arith.addf %add3A_127, %get3A_133 : vector<16xf32>
        %mul3A_135 = arith.constant 16 : i32
        %mul3A_136 = arith.muli %scan3A_109, %mul3A_135 : i32
        %add3A_137 = arith.constant 4096 : i32
        %add3A_138 = arith.addi %add3A_137, %mul3A_136 : i32
        %get3A_139 = arith.index_cast %add3A_138 : i32 to index
        %get3A_140 = tpu.vector_load %arg6[%get3A_139] {strides = array<i32>} : memref<16384xf32, #tpu.memory_space<vmem>>, vector<16xf32>,
        %add3A_141 = arith.addf %add3A_134, %get3A_140 : vector<16xf32>
        %mul3A_142 = arith.constant 16 : i32
        %mul3A_143 = arith.muli %scan3A_109, %mul3A_142 : i32
        %add3A_144 = arith.constant 5120 : i32
        %add3A_145 = arith.addi %add3A_144, %mul3A_143 : i32
        %get3A_146 = arith.index_cast %add3A_145 : i32 to index
        %get3A_147 = tpu.vector_load %arg6[%get3A_146] {strides = array<i32>} : memref<16384xf32, #tpu.memory_space<vmem>>, vector<16xf32>,
        %add3A_148 = arith.addf %add3A_141, %get3A_147 : vector<16xf32>
        %mul3A_149 = arith.constant 16 : i32
        %mul3A_150 = arith.muli %scan3A_109, %mul3A_149 : i32
        %add3A_151 = arith.constant 6144 : i32
        %add3A_152 = arith.addi %add3A_151, %mul3A_150 : i32
        %get3A_153 = arith.index_cast %add3A_152 : i32 to index
        %get3A_154 = tpu.vector_load %arg6[%get3A_153] {strides = array<i32>} : memref<16384xf32, #tpu.memory_space<vmem>>, vector<16xf32>,
        %add3A_155 = arith.addf %add3A_148, %get3A_154 : vector<16xf32>
        %mul3A_156 = arith.constant 16 : i32
        %mul3A_157 = arith.muli %scan3A_109, %mul3A_156 : i32
        %add3A_158 = arith.constant 7168 : i32
        %add3A_159 = arith.addi %add3A_158, %mul3A_157 : i32
        %get3A_160 = arith.index_cast %add3A_159 : i32 to index
        %get3A_161 = tpu.vector_load %arg6[%get3A_160] {strides = array<i32>} : memref<16384xf32, #tpu.memory_space<vmem>>, vector<16xf32>,
        %add3A_162 = arith.addf %add3A_155, %get3A_161 : vector<16xf32>
        %mul3A_163 = arith.constant 16 : i32
        %mul3A_164 = arith.muli %scan3A_109, %mul3A_163 : i32
        %add3A_165 = arith.constant 8192 : i32
        %add3A_166 = arith.addi %add3A_165, %mul3A_164 : i32
        %get3A_167 = arith.index_cast %add3A_166 : i32 to index
        %get3A_168 = tpu.vector_load %arg6[%get3A_167] {strides = array<i32>} : memref<16384xf32, #tpu.memory_space<vmem>>, vector<16xf32>,
        %add3A_169 = arith.addf %add3A_162, %get3A_168 : vector<16xf32>
        %mul3A_170 = arith.constant 16 : i32
        %mul3A_171 = arith.muli %scan3A_109, %mul3A_170 : i32
        %add3A_172 = arith.constant 9216 : i32
        %add3A_173 = arith.addi %add3A_172, %mul3A_171 : i32
        %get3A_174 = arith.index_cast %add3A_173 : i32 to index
        %get3A_175 = tpu.vector_load %arg6[%get3A_174] {strides = array<i32>} : memref<16384xf32, #tpu.memory_space<vmem>>, vector<16xf32>,
        %add3A_176 = arith.addf %add3A_169, %get3A_175 : vector<16xf32>
        %mul3A_177 = arith.constant 16 : i32
        %mul3A_178 = arith.muli %scan3A_109, %mul3A_177 : i32
        %add3A_179 = arith.constant 10240 : i32
        %add3A_180 = arith.addi %add3A_179, %mul3A_178 : i32
        %get3A_181 = arith.index_cast %add3A_180 : i32 to index
        %get3A_182 = tpu.vector_load %arg6[%get3A_181] {strides = array<i32>} : memref<16384xf32, #tpu.memory_space<vmem>>, vector<16xf32>,
        %add3A_183 = arith.addf %add3A_176, %get3A_182 : vector<16xf32>
        %mul3A_184 = arith.constant 16 : i32
        %mul3A_185 = arith.muli %scan3A_109, %mul3A_184 : i32
        %add3A_186 = arith.constant 11264 : i32
        %add3A_187 = arith.addi %add3A_186, %mul3A_185 : i32
        %get3A_188 = arith.index_cast %add3A_187 : i32 to index
        %get3A_189 = tpu.vector_load %arg6[%get3A_188] {strides = array<i32>} : memref<16384xf32, #tpu.memory_space<vmem>>, vector<16xf32>,
        %add3A_190 = arith.addf %add3A_183, %get3A_189 : vector<16xf32>
        %mul3A_191 = arith.constant 16 : i32
        %mul3A_192 = arith.muli %scan3A_109, %mul3A_191 : i32
        %add3A_193 = arith.constant 12288 : i32
        %add3A_194 = arith.addi %add3A_193, %mul3A_192 : i32
        %get3A_195 = arith.index_cast %add3A_194 : i32 to index
        %get3A_196 = tpu.vector_load %arg6[%get3A_195] {strides = array<i32>} : memref<16384xf32, #tpu.memory_space<vmem>>, vector<16xf32>,
        %add3A_197 = arith.addf %add3A_190, %get3A_196 : vector<16xf32>
        %mul3A_198 = arith.constant 16 : i32
        %mul3A_199 = arith.muli %scan3A_109, %mul3A_198 : i32
        %add3A_200 = arith.constant 13312 : i32
        %add3A_201 = arith.addi %add3A_200, %mul3A_199 : i32
        %get3A_202 = arith.index_cast %add3A_201 : i32 to index
        %get3A_203 = tpu.vector_load %arg6[%get3A_202] {strides = array<i32>} : memref<16384xf32, #tpu.memory_space<vmem>>, vector<16xf32>,
        %add3A_204 = arith.addf %add3A_197, %get3A_203 : vector<16xf32>
        %mul3A_205 = arith.constant 16 : i32
        %mul3A_206 = arith.muli %scan3A_109, %mul3A_205 : i32
        %add3A_207 = arith.constant 14336 : i32
        %add3A_208 = arith.addi %add3A_207, %mul3A_206 : i32
        %get3A_209 = arith.index_cast %add3A_208 : i32 to index
        %get3A_210 = tpu.vector_load %arg6[%get3A_209] {strides = array<i32>} : memref<16384xf32, #tpu.memory_space<vmem>>, vector<16xf32>,
        %add3A_211 = arith.addf %add3A_204, %get3A_210 : vector<16xf32>
        %mul3A_212 = arith.constant 16 : i32
        %mul3A_213 = arith.muli %scan3A_109, %mul3A_212 : i32
        %add3A_214 = arith.constant 15360 : i32
        %add3A_215 = arith.addi %add3A_214, %mul3A_213 : i32
        %get3A_216 = arith.index_cast %add3A_215 : i32 to index
        %get3A_217 = tpu.vector_load %arg6[%get3A_216] {strides = array<i32>} : memref<16384xf32, #tpu.memory_space<vmem>>, vector<16xf32>,
        %add3A_218 = arith.addf %add3A_211, %get3A_217 : vector<16xf32>
        %mul3A_219 = arith.constant 16 : i32
        %mul3A_220 = arith.muli %scan3A_109, %mul3A_219 : i32
        %swap3A_221 = arith.index_cast %mul3A_220 : i32 to index
        %swap3A_222 = tpu.vector_load %arg7[%swap3A_221] {strides = array<i32>} : memref<1024xf32, #tpu.memory_space<vmem>>, vector<16xf32>,
        tpu.vector_store %arg7[%swap3A_221], %add3A_218 {strides = array<i32>} : memref<1024xf32, #tpu.memory_space<vmem>>, vector<16xf32>,
        %scan3A_223 = arith.constant 0 : i32
        scf.yield %scan3A_223 : i32
      }
      %scan3A_39 = arith.constant 64 : i32
      %broadcast_in_dim3A_40 = arith.constant 0 : i32
      %broadcast_in_dim3A_41 = vector.broadcast %broadcast_in_dim3A_40 : i32 to vector<16xi32>
      %scan3A_42 = arith.constant 0.000000e+00 : f32
      %scan3A_43 = arith.constant 0 : i32
      %scan3A_44 = arith.constant 32 : i32
      %scan3A_45 = arith.addi %scan3A_43, %scan3A_44 : i32
      %scan3A_46 = arith.constant 1 : i32
      %scan3A_47:2 = scf.for %scan3A_109 = %scan3A_43 to %scan3A_45 step %scan3A_46 iter_args(%scan3A_110 = %scan3A_42, %scan3A_111 = %broadcast_in_dim3A_41) -> (f32, vector<16xi32>)  : i32 {
        %sub3A_112 = arith.constant 31 : i32
        %sub3A_113 = arith.subi %sub3A_112, %scan3A_109 : i32
        %mul3A_114 = arith.constant 16 : i32
        %mul3A_115 = arith.muli %sub3A_113, %mul3A_114 : i32
        %add3A_116 = arith.constant 0 : i32
        %add3A_117 = arith.addi %add3A_116, %mul3A_115 : i32
        %get3A = arith.index_cast %add3A_117 : i32 to index
        %get3A_118 = tpu.vector_load %arg7[%get3A] {strides = array<i32>} : memref<1024xf32, #tpu.memory_space<vmem>>, vector<16xf32>,
        %rev3A = arith.constant 15 : i32
        %rev3A_119 = vector.broadcast %rev3A : i32 to vector<16xi32>
        %rev3A_120 = tpu.iota {dimensions = array<i32: 0>} : vector<16xi32>
        %rev3A_121 = arith.subi %rev3A_119, %rev3A_120 : vector<16xi32>
        %rev3A_122 = tpu.dynamic_gather %get3A_118[%rev3A_121] in [0] : vector<16xf32>, vector<16xi32> -> vector<16xf32>
        %broadcast_in_dim3A_123 = arith.constant true
        %broadcast_in_dim3A_124 = vector.broadcast %broadcast_in_dim3A_123 : i1 to vector<16xi1>
        %masked_cumsum3A = tpu.scan <sum>, %rev3A_122 masked %broadcast_in_dim3A_124 : vector<16xf32>, vector<16xi1> -> vector<16xf32>
        %add3A_125 = vector.broadcast %scan3A_110 : f32 to vector<16xf32>
        %add3A_126 = arith.addf %masked_cumsum3A, %add3A_125 : vector<16xf32>
        %ge3A = arith.cmpf oge, %add3A_126, %mul3A_4 : vector<16xf32>
        %all_reduce_population_count3A = tpu.all_reduce %ge3A {dim = 0 : i64, kind = #tpu.reduction_kind<sum>} : vector<16xi1> -> vector<16xi32>
        %add3A_127 = arith.addi %scan3A_111, %all_reduce_population_count3A : vector<16xi32>
        %reduce_sum3A = arith.constant true
        %reduce_sum3A_128 = vector.broadcast %reduce_sum3A : i1 to vector<16xi1>
        %reduce_sum3A_129 = tpu.scan <sum>, %get3A_118 masked %reduce_sum3A_128 : vector<16xf32>, vector<16xi1> -> vector<16xf32>
        %reduce_sum3A_130 = vector.extract %reduce_sum3A_129[15] : f32 from vector<16xf32>
        %add3A_131 = arith.addf %scan3A_110, %reduce_sum3A_130 : f32
        scf.yield %add3A_131, %add3A_127 : f32, vector<16xi32>
      }
      %scan3A_48 = arith.constant 32 : i32
      %sub3A = arith.constant 1 : i32
      %sub3A_49 = vector.broadcast %sub3A : i32 to vector<16xi32>
      %sub3A_50 = arith.subi %scan3A_47#1, %sub3A_49 : vector<16xi32>
      %scan3A_51 = arith.constant 0.000000e+00 : f32
      %scan3A_52 = arith.constant 0 : i32
      %scan3A_53 = arith.constant 32 : i32
      %scan3A_54 = arith.addi %scan3A_52, %scan3A_53 : i32
      %scan3A_55 = arith.constant 1 : i32
      %scan3A_56 = scf.for %scan3A_109 = %scan3A_52 to %scan3A_54 step %scan3A_55 iter_args(%scan3A_110 = %scan3A_51) -> (f32)  : i32 {
        %sub3A_111 = arith.constant 31 : i32
        %sub3A_112 = arith.subi %sub3A_111, %scan3A_109 : i32
        %mul3A_113 = arith.constant 16 : i32
        %mul3A_114 = arith.muli %sub3A_112, %mul3A_113 : i32
        %add3A_115 = arith.constant 0 : i32
        %add3A_116 = arith.addi %add3A_115, %mul3A_114 : i32
        %get3A = arith.index_cast %add3A_116 : i32 to index
        %get3A_117 = tpu.vector_load %arg7[%get3A] {strides = array<i32>} : memref<1024xf32, #tpu.memory_space<vmem>>, vector<16xf32>,
        %mul3A_118 = arith.constant 16 : i32
        %mul3A_119 = arith.muli %sub3A_112, %mul3A_118 : i32
        %add3A_120 = vector.broadcast %mul3A_119 : i32 to vector<16xi32>
        %add3A_121 = arith.addi %add3A_120, %iota3A : vector<16xi32>
        %gt3A = arith.cmpi sgt, %add3A_121, %sub3A_50 : vector<16xi32>
        %jit3A = arith.constant 0.000000e+00 : f32
        %broadcast_in_dim3A_122 = vector.broadcast %jit3A : f32 to vector<16xf32>
        %select_n3A = arith.select %gt3A, %get3A_117, %broadcast_in_dim3A_122 : vector<16xi1>, vector<16xf32>
        %reduce_sum3A = arith.constant true
        %reduce_sum3A_123 = vector.broadcast %reduce_sum3A : i1 to vector<16xi1>
        %reduce_sum3A_124 = tpu.scan <sum>, %select_n3A masked %reduce_sum3A_123 : vector<16xf32>, vector<16xi1> -> vector<16xf32>
        %reduce_sum3A_125 = vector.extract %reduce_sum3A_124[15] : f32 from vector<16xf32>
        %add3A_126 = arith.addf %scan3A_110, %reduce_sum3A_125 : f32
        scf.yield %add3A_126 : f32
      }
      %scan3A_57 = arith.constant 32 : i32
      %shift_left3A = arith.constant 22 : i32
      %shift_left3A_58 = vector.broadcast %shift_left3A : i32 to vector<16xi32>
      %shift_left3A_59 = arith.shli %sub3A_50, %shift_left3A_58 : vector<16xi32>
      %swap3A = arith.constant 0 : index
      %swap3A_60 = tpu.vector_load %arg8[%swap3A] {strides = array<i32>} : memref<64xi32, #tpu.memory_space<vmem>>, vector<16xi32>,
      tpu.vector_store %arg8[%swap3A], %shift_left3A_59 {strides = array<i32>} : memref<64xi32, #tpu.memory_space<vmem>>, vector<16xi32>,
      %convert_element_type3A_61 = arith.fptosi %scan3A_56 : f32 to i32
      %mul3A_62 = arith.constant 0 : i32
      %mul3A_63 = vector.broadcast %mul3A_62 : i32 to vector<16xi32>
      %mul3A_64 = arith.muli %iota3A, %mul3A_63 : vector<16xi32>
      %add3A_65 = arith.constant 1 : i32
      %add3A_66 = vector.broadcast %add3A_65 : i32 to vector<16xi32>
      %add3A_67 = arith.addi %mul3A_64, %add3A_66 : vector<16xi32>
      %mul3A_68 = vector.broadcast %convert_element_type3A_61 : i32 to vector<16xi32>
      %mul3A_69 = arith.muli %mul3A_68, %add3A_67 : vector<16xi32>
      %swap3A_70 = arith.constant 16 : index
      %swap3A_71 = tpu.vector_load %arg8[%swap3A_70] {strides = array<i32>} : memref<64xi32, #tpu.memory_space<vmem>>, vector<16xi32>,
      tpu.vector_store %arg8[%swap3A_70], %mul3A_69 {strides = array<i32>} : memref<64xi32, #tpu.memory_space<vmem>>, vector<16xi32>,
      %broadcast_in_dim3A_72 = arith.constant 0 : i32
      %broadcast_in_dim3A_73 = vector.broadcast %broadcast_in_dim3A_72 : i32 to vector<16xi32>
      %scan3A_74 = arith.constant 0.000000e+00 : f32
      %scan3A_75 = arith.constant 0 : i32
      %scan3A_76 = arith.constant 32 : i32
      %scan3A_77 = arith.addi %scan3A_75, %scan3A_76 : i32
      %scan3A_78 = arith.constant 1 : i32
      %scan3A_79:2 = scf.for %scan3A_109 = %scan3A_75 to %scan3A_77 step %scan3A_78 iter_args(%scan3A_110 = %scan3A_74, %scan3A_111 = %broadcast_in_dim3A_73) -> (f32, vector<16xi32>)  : i32 {
        %sub3A_112 = arith.constant 31 : i32
        %sub3A_113 = arith.subi %sub3A_112, %scan3A_109 : i32
        %mul3A_114 = arith.constant 16 : i32
        %mul3A_115 = arith.muli %sub3A_113, %mul3A_114 : i32
        %add3A_116 = arith.constant 512 : i32
        %add3A_117 = arith.addi %add3A_116, %mul3A_115 : i32
        %get3A = arith.index_cast %add3A_117 : i32 to index
        %get3A_118 = tpu.vector_load %arg7[%get3A] {strides = array<i32>} : memref<1024xf32, #tpu.memory_space<vmem>>, vector<16xf32>,
        %rev3A = arith.constant 15 : i32
        %rev3A_119 = vector.broadcast %rev3A : i32 to vector<16xi32>
        %rev3A_120 = tpu.iota {dimensions = array<i32: 0>} : vector<16xi32>
        %rev3A_121 = arith.subi %rev3A_119, %rev3A_120 : vector<16xi32>
        %rev3A_122 = tpu.dynamic_gather %get3A_118[%rev3A_121] in [0] : vector<16xf32>, vector<16xi32> -> vector<16xf32>
        %broadcast_in_dim3A_123 = arith.constant true
        %broadcast_in_dim3A_124 = vector.broadcast %broadcast_in_dim3A_123 : i1 to vector<16xi1>
        %masked_cumsum3A = tpu.scan <sum>, %rev3A_122 masked %broadcast_in_dim3A_124 : vector<16xf32>, vector<16xi1> -> vector<16xf32>
        %add3A_125 = vector.broadcast %scan3A_110 : f32 to vector<16xf32>
        %add3A_126 = arith.addf %masked_cumsum3A, %add3A_125 : vector<16xf32>
        %ge3A = arith.cmpf oge, %add3A_126, %mul3A_4 : vector<16xf32>
        %all_reduce_population_count3A = tpu.all_reduce %ge3A {dim = 0 : i64, kind = #tpu.reduction_kind<sum>} : vector<16xi1> -> vector<16xi32>
        %add3A_127 = arith.addi %scan3A_111, %all_reduce_population_count3A : vector<16xi32>
        %reduce_sum3A = arith.constant true
        %reduce_sum3A_128 = vector.broadcast %reduce_sum3A : i1 to vector<16xi1>
        %reduce_sum3A_129 = tpu.scan <sum>, %get3A_118 masked %reduce_sum3A_128 : vector<16xf32>, vector<16xi1> -> vector<16xf32>
        %reduce_sum3A_130 = vector.extract %reduce_sum3A_129[15] : f32 from vector<16xf32>
        %add3A_131 = arith.addf %scan3A_110, %reduce_sum3A_130 : f32
        scf.yield %add3A_131, %add3A_127 : f32, vector<16xi32>
      }
      %scan3A_80 = arith.constant 32 : i32
      %sub3A_81 = arith.constant 1 : i32
      %sub3A_82 = vector.broadcast %sub3A_81 : i32 to vector<16xi32>
      %sub3A_83 = arith.subi %scan3A_79#1, %sub3A_82 : vector<16xi32>
      %scan3A_84 = arith.constant 0.000000e+00 : f32
      %scan3A_85 = arith.constant 0 : i32
      %scan3A_86 = arith.constant 32 : i32
      %scan3A_87 = arith.addi %scan3A_85, %scan3A_86 : i32
      %scan3A_88 = arith.constant 1 : i32
      %scan3A_89 = scf.for %scan3A_109 = %scan3A_85 to %scan3A_87 step %scan3A_88 iter_args(%scan3A_110 = %scan3A_84) -> (f32)  : i32 {
        %sub3A_111 = arith.constant 31 : i32
        %sub3A_112 = arith.subi %sub3A_111, %scan3A_109 : i32
        %mul3A_113 = arith.constant 16 : i32
        %mul3A_114 = arith.muli %sub3A_112, %mul3A_113 : i32
        %add3A_115 = arith.constant 512 : i32
        %add3A_116 = arith.addi %add3A_115, %mul3A_114 : i32
        %get3A = arith.index_cast %add3A_116 : i32 to index
        %get3A_117 = tpu.vector_load %arg7[%get3A] {strides = array<i32>} : memref<1024xf32, #tpu.memory_space<vmem>>, vector<16xf32>,
        %mul3A_118 = arith.constant 16 : i32
        %mul3A_119 = arith.muli %sub3A_112, %mul3A_118 : i32
        %add3A_120 = vector.broadcast %mul3A_119 : i32 to vector<16xi32>
        %add3A_121 = arith.addi %add3A_120, %iota3A : vector<16xi32>
        %gt3A = arith.cmpi sgt, %add3A_121, %sub3A_83 : vector<16xi32>
        %jit3A = arith.constant 0.000000e+00 : f32
        %broadcast_in_dim3A_122 = vector.broadcast %jit3A : f32 to vector<16xf32>
        %select_n3A = arith.select %gt3A, %get3A_117, %broadcast_in_dim3A_122 : vector<16xi1>, vector<16xf32>
        %reduce_sum3A = arith.constant true
        %reduce_sum3A_123 = vector.broadcast %reduce_sum3A : i1 to vector<16xi1>
        %reduce_sum3A_124 = tpu.scan <sum>, %select_n3A masked %reduce_sum3A_123 : vector<16xf32>, vector<16xi1> -> vector<16xf32>
        %reduce_sum3A_125 = vector.extract %reduce_sum3A_124[15] : f32 from vector<16xf32>
        %add3A_126 = arith.addf %scan3A_110, %reduce_sum3A_125 : f32
        scf.yield %add3A_126 : f32
      }
      %scan3A_90 = arith.constant 32 : i32
      %shift_left3A_91 = arith.constant 22 : i32
      %shift_left3A_92 = vector.broadcast %shift_left3A_91 : i32 to vector<16xi32>
      %shift_left3A_93 = arith.shli %sub3A_83, %shift_left3A_92 : vector<16xi32>
      %swap3A_94 = arith.constant 32 : index
      %swap3A_95 = tpu.vector_load %arg8[%swap3A_94] {strides = array<i32>} : memref<64xi32, #tpu.memory_space<vmem>>, vector<16xi32>,
      tpu.vector_store %arg8[%swap3A_94], %shift_left3A_93 {strides = array<i32>} : memref<64xi32, #tpu.memory_space<vmem>>, vector<16xi32>,
      %convert_element_type3A_96 = arith.fptosi %scan3A_89 : f32 to i32
      %mul3A_97 = arith.constant 0 : i32
      %mul3A_98 = vector.broadcast %mul3A_97 : i32 to vector<16xi32>
      %mul3A_99 = arith.muli %iota3A, %mul3A_98 : vector<16xi32>
      %add3A_100 = arith.constant 1 : i32
      %add3A_101 = vector.broadcast %add3A_100 : i32 to vector<16xi32>
      %add3A_102 = arith.addi %mul3A_99, %add3A_101 : vector<16xi32>
      %mul3A_103 = vector.broadcast %convert_element_type3A_96 : i32 to vector<16xi32>
      %mul3A_104 = arith.muli %mul3A_103, %add3A_102 : vector<16xi32>
      %swap3A_105 = arith.constant 48 : index
      %swap3A_106 = tpu.vector_load %arg8[%swap3A_105] {strides = array<i32>} : memref<64xi32, #tpu.memory_space<vmem>>, vector<16xi32>,
      tpu.vector_store %arg8[%swap3A_105], %mul3A_104 {strides = array<i32>} : memref<64xi32, #tpu.memory_space<vmem>>, vector<16xi32>,
      %mul3A_107 = arith.constant 64 : i32
      %mul3A_108 = arith.muli %arg0, %mul3A_107 : i32
      "tpu.region"() ({
        %run_scoped3A = tpu.sem_alloc : memref<!tpu.dma_semaphore, #tpu.memory_space<semaphore_mem>>
        %dma_start3A = tpu.memref_slice %arg3[%mul3A_108] : memref<128xi32, #tpu.memory_space<hbm>> -> memref<64xi32, #tpu.memory_space<hbm>>
        %dma_start3A_109 = tpu.memref_slice %arg3[%mul3A_108] : memref<128xi32, #tpu.memory_space<hbm>> -> memref<64xi32, #tpu.memory_space<hbm>>
        tpu.enqueue_dma source(%arg8 : memref<64xi32, #tpu.memory_space<vmem>>) target(%dma_start3A_109 : memref<64xi32, #tpu.memory_space<hbm>>) target_semaphore(%run_scoped3A : memref<!tpu.dma_semaphore, #tpu.memory_space<semaphore_mem>>)
        %dma_wait3A = tpu.memref_slice %arg3[%mul3A_108] : memref<128xi32, #tpu.memory_space<hbm>> -> memref<64xi32, #tpu.memory_space<hbm>>
        %dma_wait3A_110 = tpu.memref_slice %arg3[%mul3A_108] : memref<128xi32, #tpu.memory_space<hbm>> -> memref<64xi32, #tpu.memory_space<hbm>>
        tpu.wait_dma2 semaphore(%run_scoped3A : memref<!tpu.dma_semaphore, #tpu.memory_space<semaphore_mem>>) src(%arg8 : memref<64xi32, #tpu.memory_space<vmem>>) dst(%dma_wait3A_110 : memref<64xi32, #tpu.memory_space<hbm>>)
        tpu.yield
      }) : () -> ()
    } else {
    }
    return
  }
}

module attributes {stable_mosaic.version = 14 : i64} {
  func.func @_final_body(%arg0: memref<4x512x512xf32, #tpu.memory_space<vmem>>, %arg1: memref<128xi32, #tpu.memory_space<smem>>, %arg2: memref<1x4xf32, #tpu.memory_space<smem>>, %arg3: memref<1x1xf32, #tpu.memory_space<smem>>) attributes {dimension_semantics = [], scalar_prefetch = 0 : i64, scratch_operands = 0 : i64, tpu.core_type = #tpu.core_type<tc>} {
    %get3A = arith.constant 0 : index
    %get3A_0 = memref.load %arg1[%get3A] : memref<128xi32, #tpu.memory_space<smem>>
    %get3A_1 = arith.constant 32 : index
    %get3A_2 = memref.load %arg1[%get3A_1] : memref<128xi32, #tpu.memory_space<smem>>
    %get3A_3 = arith.constant 64 : index
    %get3A_4 = memref.load %arg1[%get3A_3] : memref<128xi32, #tpu.memory_space<smem>>
    %get3A_5 = arith.constant 96 : index
    %get3A_6 = memref.load %arg1[%get3A_5] : memref<128xi32, #tpu.memory_space<smem>>
    %get3A_7 = arith.constant 16 : index
    %get3A_8 = memref.load %arg1[%get3A_7] : memref<128xi32, #tpu.memory_space<smem>>
    %convert_element_type3A = arith.sitofp %get3A_8 : i32 to f32
    %sub3A = arith.constant 2.621400e+04 : f32
    %sub3A_9 = arith.subf %sub3A, %convert_element_type3A : f32
    %get3A_10 = arith.constant 48 : index
    %get3A_11 = memref.load %arg1[%get3A_10] : memref<128xi32, #tpu.memory_space<smem>>
    %convert_element_type3A_12 = arith.sitofp %get3A_11 : i32 to f32
    %sub3A_13 = arith.constant 2.621400e+04 : f32
    %sub3A_14 = arith.subf %sub3A_13, %convert_element_type3A_12 : f32
    %get3A_15 = arith.constant 80 : index
    %get3A_16 = memref.load %arg1[%get3A_15] : memref<128xi32, #tpu.memory_space<smem>>
    %convert_element_type3A_17 = arith.sitofp %get3A_16 : i32 to f32
    %sub3A_18 = arith.constant 2.621400e+04 : f32
    %sub3A_19 = arith.subf %sub3A_18, %convert_element_type3A_17 : f32
    %get3A_20 = arith.constant 112 : index
    %get3A_21 = memref.load %arg1[%get3A_20] : memref<128xi32, #tpu.memory_space<smem>>
    %convert_element_type3A_22 = arith.sitofp %get3A_21 : i32 to f32
    %sub3A_23 = arith.constant 2.621400e+04 : f32
    %sub3A_24 = arith.subf %sub3A_23, %convert_element_type3A_22 : f32
    %get3A_25 = arith.constant 16 : index
    %get3A_26 = memref.load %arg1[%get3A_25] : memref<128xi32, #tpu.memory_space<smem>>
    %convert_element_type3A_27 = arith.sitofp %get3A_26 : i32 to f32
    %get3A_28 = arith.constant 48 : index
    %get3A_29 = memref.load %arg1[%get3A_28] : memref<128xi32, #tpu.memory_space<smem>>
    %convert_element_type3A_30 = arith.sitofp %get3A_29 : i32 to f32
    %get3A_31 = arith.constant 80 : index
    %get3A_32 = memref.load %arg1[%get3A_31] : memref<128xi32, #tpu.memory_space<smem>>
    %convert_element_type3A_33 = arith.sitofp %get3A_32 : i32 to f32
    %get3A_34 = arith.constant 112 : index
    %get3A_35 = memref.load %arg1[%get3A_34] : memref<128xi32, #tpu.memory_space<smem>>
    %convert_element_type3A_36 = arith.sitofp %get3A_35 : i32 to f32
    %scan3A = arith.constant 0 : i32
    %scan3A_37 = arith.constant 9 : i32
    %scan3A_38 = arith.addi %scan3A, %scan3A_37 : i32
    %scan3A_39 = arith.constant 1 : i32
    %scan3A_40:12 = scf.for %scan3A_250 = %scan3A to %scan3A_38 step %scan3A_39 iter_args(%scan3A_251 = %get3A_0, %scan3A_252 = %get3A_2, %scan3A_253 = %get3A_4, %scan3A_254 = %get3A_6, %scan3A_255 = %sub3A_9, %scan3A_256 = %sub3A_14, %scan3A_257 = %sub3A_19, %scan3A_258 = %sub3A_24, %scan3A_259 = %convert_element_type3A_27, %scan3A_260 = %convert_element_type3A_30, %scan3A_261 = %convert_element_type3A_33, %scan3A_262 = %convert_element_type3A_36) -> (i32, i32, i32, i32, f32, f32, f32, f32, f32, f32, f32, f32)  : i32 {
      %sub3A_263 = arith.constant 21 : i32
      %sub3A_264 = arith.subi %sub3A_263, %scan3A_250 : i32
      %shift_left3A = arith.constant 1 : i32
      %shift_left3A_265 = arith.shli %shift_left3A, %sub3A_264 : i32
      %get3A_266 = arith.constant 0 : index
      %get3A_267 = arith.constant 0 : index
      %get3A_268 = arith.constant 0 : index
      %get3A_269 = vector.load %arg0[%get3A_266, %get3A_267, %get3A_268] : memref<4x512x512xf32, #tpu.memory_space<vmem>>, vector<1x512x512xf32>
      %get3A_270 = vector.shape_cast %get3A_269 : vector<1x512x512xf32> to vector<512x512xf32>
      %bitcast_convert_type3A_271 = tpu.bitcast %get3A_270 : vector<512x512xf32> -> vector<512x512xi32>
      %add3A_272 = arith.addi %scan3A_251, %shift_left3A_265 : i32
      %ge3A = vector.broadcast %add3A_272 : i32 to vector<512x512xi32>
      %ge3A_273 = arith.cmpi sge, %bitcast_convert_type3A_271, %ge3A : vector<512x512xi32>
      %convert_element_type3A_274 = arith.extui %ge3A_273 : vector<512x512xi1> to vector<512x512xi32>
      %convert_element_type3A_275 = arith.sitofp %convert_element_type3A_274 : vector<512x512xi32> to vector<512x512xf32>
      %reduce_sum3A_276 = vector.shape_cast %convert_element_type3A_275 : vector<512x512xf32> to vector<1x512x512xf32>
      %reduce_sum3A_277 = arith.constant dense<0.000000e+00> : vector<1xf32>
      %reduce_sum3A_278 = vector.multi_reduction <add>, %reduce_sum3A_276, %reduce_sum3A_277 [1, 2] : vector<1x512x512xf32> to vector<1xf32>
      %reduce_sum3A_279 = vector.shape_cast %reduce_sum3A_278 : vector<1xf32> to vector<1x1x1xf32>
      %reduce_sum3A_280 = vector.extract %reduce_sum3A_279[0, 0, 0] : f32 from vector<1x1x1xf32>
      %sub3A_281 = arith.subf %reduce_sum3A_280, %scan3A_259 : f32
      %ge3A_282 = arith.cmpf oge, %sub3A_281, %scan3A_255 : f32
      %select_n3A_283 = arith.select %ge3A_282, %add3A_272, %scan3A_251 : i32
      %select_n3A_284 = arith.select %ge3A_282, %scan3A_259, %reduce_sum3A_280 : f32
      %sub3A_285 = arith.subf %scan3A_255, %sub3A_281 : f32
      %select_n3A_286 = arith.select %ge3A_282, %scan3A_255, %sub3A_285 : f32
      %get3A_287 = arith.constant 1 : index
      %get3A_288 = arith.constant 0 : index
      %get3A_289 = arith.constant 0 : index
      %get3A_290 = vector.load %arg0[%get3A_287, %get3A_288, %get3A_289] : memref<4x512x512xf32, #tpu.memory_space<vmem>>, vector<1x512x512xf32>
      %get3A_291 = vector.shape_cast %get3A_290 : vector<1x512x512xf32> to vector<512x512xf32>
      %bitcast_convert_type3A_292 = tpu.bitcast %get3A_291 : vector<512x512xf32> -> vector<512x512xi32>
      %add3A_293 = arith.addi %scan3A_252, %shift_left3A_265 : i32
      %ge3A_294 = vector.broadcast %add3A_293 : i32 to vector<512x512xi32>
      %ge3A_295 = arith.cmpi sge, %bitcast_convert_type3A_292, %ge3A_294 : vector<512x512xi32>
      %convert_element_type3A_296 = arith.extui %ge3A_295 : vector<512x512xi1> to vector<512x512xi32>
      %convert_element_type3A_297 = arith.sitofp %convert_element_type3A_296 : vector<512x512xi32> to vector<512x512xf32>
      %reduce_sum3A_298 = vector.shape_cast %convert_element_type3A_297 : vector<512x512xf32> to vector<1x512x512xf32>
      %reduce_sum3A_299 = arith.constant dense<0.000000e+00> : vector<1xf32>
      %reduce_sum3A_300 = vector.multi_reduction <add>, %reduce_sum3A_298, %reduce_sum3A_299 [1, 2] : vector<1x512x512xf32> to vector<1xf32>
      %reduce_sum3A_301 = vector.shape_cast %reduce_sum3A_300 : vector<1xf32> to vector<1x1x1xf32>
      %reduce_sum3A_302 = vector.extract %reduce_sum3A_301[0, 0, 0] : f32 from vector<1x1x1xf32>
      %sub3A_303 = arith.subf %reduce_sum3A_302, %scan3A_260 : f32
      %ge3A_304 = arith.cmpf oge, %sub3A_303, %scan3A_256 : f32
      %select_n3A_305 = arith.select %ge3A_304, %add3A_293, %scan3A_252 : i32
      %select_n3A_306 = arith.select %ge3A_304, %scan3A_260, %reduce_sum3A_302 : f32
      %sub3A_307 = arith.subf %scan3A_256, %sub3A_303 : f32
      %select_n3A_308 = arith.select %ge3A_304, %scan3A_256, %sub3A_307 : f32
      %get3A_309 = arith.constant 2 : index
      %get3A_310 = arith.constant 0 : index
      %get3A_311 = arith.constant 0 : index
      %get3A_312 = vector.load %arg0[%get3A_309, %get3A_310, %get3A_311] : memref<4x512x512xf32, #tpu.memory_space<vmem>>, vector<1x512x512xf32>
      %get3A_313 = vector.shape_cast %get3A_312 : vector<1x512x512xf32> to vector<512x512xf32>
      %bitcast_convert_type3A_314 = tpu.bitcast %get3A_313 : vector<512x512xf32> -> vector<512x512xi32>
      %add3A_315 = arith.addi %scan3A_253, %shift_left3A_265 : i32
      %ge3A_316 = vector.broadcast %add3A_315 : i32 to vector<512x512xi32>
      %ge3A_317 = arith.cmpi sge, %bitcast_convert_type3A_314, %ge3A_316 : vector<512x512xi32>
      %convert_element_type3A_318 = arith.extui %ge3A_317 : vector<512x512xi1> to vector<512x512xi32>
      %convert_element_type3A_319 = arith.sitofp %convert_element_type3A_318 : vector<512x512xi32> to vector<512x512xf32>
      %reduce_sum3A_320 = vector.shape_cast %convert_element_type3A_319 : vector<512x512xf32> to vector<1x512x512xf32>
      %reduce_sum3A_321 = arith.constant dense<0.000000e+00> : vector<1xf32>
      %reduce_sum3A_322 = vector.multi_reduction <add>, %reduce_sum3A_320, %reduce_sum3A_321 [1, 2] : vector<1x512x512xf32> to vector<1xf32>
      %reduce_sum3A_323 = vector.shape_cast %reduce_sum3A_322 : vector<1xf32> to vector<1x1x1xf32>
      %reduce_sum3A_324 = vector.extract %reduce_sum3A_323[0, 0, 0] : f32 from vector<1x1x1xf32>
      %sub3A_325 = arith.subf %reduce_sum3A_324, %scan3A_261 : f32
      %ge3A_326 = arith.cmpf oge, %sub3A_325, %scan3A_257 : f32
      %select_n3A_327 = arith.select %ge3A_326, %add3A_315, %scan3A_253 : i32
      %select_n3A_328 = arith.select %ge3A_326, %scan3A_261, %reduce_sum3A_324 : f32
      %sub3A_329 = arith.subf %scan3A_257, %sub3A_325 : f32
      %select_n3A_330 = arith.select %ge3A_326, %scan3A_257, %sub3A_329 : f32
      %get3A_331 = arith.constant 3 : index
      %get3A_332 = arith.constant 0 : index
      %get3A_333 = arith.constant 0 : index
      %get3A_334 = vector.load %arg0[%get3A_331, %get3A_332, %get3A_333] : memref<4x512x512xf32, #tpu.memory_space<vmem>>, vector<1x512x512xf32>
      %get3A_335 = vector.shape_cast %get3A_334 : vector<1x512x512xf32> to vector<512x512xf32>
      %bitcast_convert_type3A_336 = tpu.bitcast %get3A_335 : vector<512x512xf32> -> vector<512x512xi32>
      %add3A_337 = arith.addi %scan3A_254, %shift_left3A_265 : i32
      %ge3A_338 = vector.broadcast %add3A_337 : i32 to vector<512x512xi32>
      %ge3A_339 = arith.cmpi sge, %bitcast_convert_type3A_336, %ge3A_338 : vector<512x512xi32>
      %convert_element_type3A_340 = arith.extui %ge3A_339 : vector<512x512xi1> to vector<512x512xi32>
      %convert_element_type3A_341 = arith.sitofp %convert_element_type3A_340 : vector<512x512xi32> to vector<512x512xf32>
      %reduce_sum3A_342 = vector.shape_cast %convert_element_type3A_341 : vector<512x512xf32> to vector<1x512x512xf32>
      %reduce_sum3A_343 = arith.constant dense<0.000000e+00> : vector<1xf32>
      %reduce_sum3A_344 = vector.multi_reduction <add>, %reduce_sum3A_342, %reduce_sum3A_343 [1, 2] : vector<1x512x512xf32> to vector<1xf32>
      %reduce_sum3A_345 = vector.shape_cast %reduce_sum3A_344 : vector<1xf32> to vector<1x1x1xf32>
      %reduce_sum3A_346 = vector.extract %reduce_sum3A_345[0, 0, 0] : f32 from vector<1x1x1xf32>
      %sub3A_347 = arith.subf %reduce_sum3A_346, %scan3A_262 : f32
      %ge3A_348 = arith.cmpf oge, %sub3A_347, %scan3A_258 : f32
      %select_n3A_349 = arith.select %ge3A_348, %add3A_337, %scan3A_254 : i32
      %select_n3A_350 = arith.select %ge3A_348, %scan3A_262, %reduce_sum3A_346 : f32
      %sub3A_351 = arith.subf %scan3A_258, %sub3A_347 : f32
      %select_n3A_352 = arith.select %ge3A_348, %scan3A_258, %sub3A_351 : f32
      scf.yield %select_n3A_283, %select_n3A_305, %select_n3A_327, %select_n3A_349, %select_n3A_286, %select_n3A_308, %select_n3A_330, %select_n3A_352, %select_n3A_284, %select_n3A_306, %select_n3A_328, %select_n3A_350 : i32, i32, i32, i32, f32, f32, f32, f32, f32, f32, f32, f32
    }
    %scan3A_41 = arith.constant 9 : i32
    %get3A_42 = arith.constant 0 : index
    %get3A_43 = arith.constant 0 : index
    %get3A_44 = arith.constant 0 : index
    %get3A_45 = vector.load %arg0[%get3A_42, %get3A_43, %get3A_44] : memref<4x512x512xf32, #tpu.memory_space<vmem>>, vector<1x512x512xf32>
    %get3A_46 = vector.shape_cast %get3A_45 : vector<1x512x512xf32> to vector<512x512xf32>
    %bitcast_convert_type3A = tpu.bitcast %get3A_46 : vector<512x512xf32> -> vector<512x512xi32>
    %gt3A = vector.broadcast %scan3A_40#0 : i32 to vector<512x512xi32>
    %gt3A_47 = arith.cmpi sgt, %bitcast_convert_type3A, %gt3A : vector<512x512xi32>
    %convert_element_type3A_48 = arith.extui %gt3A_47 : vector<512x512xi1> to vector<512x512xi32>
    %convert_element_type3A_49 = arith.sitofp %convert_element_type3A_48 : vector<512x512xi32> to vector<512x512xf32>
    %reduce_sum3A = vector.shape_cast %convert_element_type3A_49 : vector<512x512xf32> to vector<1x512x512xf32>
    %reduce_sum3A_50 = arith.constant dense<0.000000e+00> : vector<1xf32>
    %reduce_sum3A_51 = vector.multi_reduction <add>, %reduce_sum3A, %reduce_sum3A_50 [1, 2] : vector<1x512x512xf32> to vector<1xf32>
    %reduce_sum3A_52 = vector.shape_cast %reduce_sum3A_51 : vector<1xf32> to vector<1x1x1xf32>
    %reduce_sum3A_53 = vector.extract %reduce_sum3A_52[0, 0, 0] : f32 from vector<1x1x1xf32>
    %gt3A_54 = vector.broadcast %scan3A_40#0 : i32 to vector<512x512xi32>
    %gt3A_55 = arith.cmpi sgt, %bitcast_convert_type3A, %gt3A_54 : vector<512x512xi32>
    %jit3A = arith.constant 0.000000e+00 : f32
    %broadcast_in_dim3A = vector.broadcast %jit3A : f32 to vector<512x512xf32>
    %select_n3A = arith.select %gt3A_55, %get3A_46, %broadcast_in_dim3A : vector<512x512xi1>, vector<512x512xf32>
    %reduce_sum3A_56 = vector.shape_cast %select_n3A : vector<512x512xf32> to vector<1x512x512xf32>
    %reduce_sum3A_57 = arith.constant dense<0.000000e+00> : vector<1xf32>
    %reduce_sum3A_58 = vector.multi_reduction <add>, %reduce_sum3A_56, %reduce_sum3A_57 [1, 2] : vector<1x512x512xf32> to vector<1xf32>
    %reduce_sum3A_59 = vector.shape_cast %reduce_sum3A_58 : vector<1xf32> to vector<1x1x1xf32>
    %reduce_sum3A_60 = vector.extract %reduce_sum3A_59[0, 0, 0] : f32 from vector<1x1x1xf32>
    %broadcast_in_dim3A_61 = vector.broadcast %scan3A_40#0 : i32 to vector<8x128xi32>
    %bitcast_convert_type3A_62 = tpu.bitcast %broadcast_in_dim3A_61 : vector<8x128xi32> -> vector<8x128xf32>
    %iota3A = tpu.iota {dimensions = array<i32: 0>} : vector<8x128xi32>
    %eq3A = arith.constant 0 : i32
    %eq3A_63 = vector.broadcast %eq3A : i32 to vector<8x128xi32>
    %eq3A_64 = arith.cmpi eq, %iota3A, %eq3A_63 : vector<8x128xi32>
    %iota3A_65 = tpu.iota {dimensions = array<i32: 1>} : vector<8x128xi32>
    %eq3A_66 = arith.constant 0 : i32
    %eq3A_67 = vector.broadcast %eq3A_66 : i32 to vector<8x128xi32>
    %eq3A_68 = arith.cmpi eq, %iota3A_65, %eq3A_67 : vector<8x128xi32>
    %and3A = arith.andi %eq3A_64, %eq3A_68 : vector<8x128xi1>
    %jit3A_69 = arith.constant 0.000000e+00 : f32
    %broadcast_in_dim3A_70 = vector.broadcast %jit3A_69 : f32 to vector<8x128xf32>
    %select_n3A_71 = arith.select %and3A, %bitcast_convert_type3A_62, %broadcast_in_dim3A_70 : vector<8x128xi1>, vector<8x128xf32>
    %reduce_sum3A_72 = vector.shape_cast %select_n3A_71 : vector<8x128xf32> to vector<1x8x128xf32>
    %reduce_sum3A_73 = arith.constant dense<0.000000e+00> : vector<1xf32>
    %reduce_sum3A_74 = vector.multi_reduction <add>, %reduce_sum3A_72, %reduce_sum3A_73 [1, 2] : vector<1x8x128xf32> to vector<1xf32>
    %reduce_sum3A_75 = vector.shape_cast %reduce_sum3A_74 : vector<1xf32> to vector<1x1x1xf32>
    %reduce_sum3A_76 = vector.extract %reduce_sum3A_75[0, 0, 0] : f32 from vector<1x1x1xf32>
    %add3A = arith.constant 0.000000e+00 : f32
    %add3A_77 = arith.addf %add3A, %reduce_sum3A_60 : f32
    %sub3A_78 = arith.constant 2.621400e+04 : f32
    %sub3A_79 = arith.subf %sub3A_78, %reduce_sum3A_53 : f32
    %mul3A = arith.mulf %sub3A_79, %reduce_sum3A_76 : f32
    %add3A_80 = arith.addf %add3A_77, %mul3A : f32
    %get3A_81 = arith.constant 1 : index
    %get3A_82 = arith.constant 0 : index
    %get3A_83 = arith.constant 0 : index
    %get3A_84 = vector.load %arg0[%get3A_81, %get3A_82, %get3A_83] : memref<4x512x512xf32, #tpu.memory_space<vmem>>, vector<1x512x512xf32>
    %get3A_85 = vector.shape_cast %get3A_84 : vector<1x512x512xf32> to vector<512x512xf32>
    %bitcast_convert_type3A_86 = tpu.bitcast %get3A_85 : vector<512x512xf32> -> vector<512x512xi32>
    %gt3A_87 = vector.broadcast %scan3A_40#1 : i32 to vector<512x512xi32>
    %gt3A_88 = arith.cmpi sgt, %bitcast_convert_type3A_86, %gt3A_87 : vector<512x512xi32>
    %convert_element_type3A_89 = arith.extui %gt3A_88 : vector<512x512xi1> to vector<512x512xi32>
    %convert_element_type3A_90 = arith.sitofp %convert_element_type3A_89 : vector<512x512xi32> to vector<512x512xf32>
    %reduce_sum3A_91 = vector.shape_cast %convert_element_type3A_90 : vector<512x512xf32> to vector<1x512x512xf32>
    %reduce_sum3A_92 = arith.constant dense<0.000000e+00> : vector<1xf32>
    %reduce_sum3A_93 = vector.multi_reduction <add>, %reduce_sum3A_91, %reduce_sum3A_92 [1, 2] : vector<1x512x512xf32> to vector<1xf32>
    %reduce_sum3A_94 = vector.shape_cast %reduce_sum3A_93 : vector<1xf32> to vector<1x1x1xf32>
    %reduce_sum3A_95 = vector.extract %reduce_sum3A_94[0, 0, 0] : f32 from vector<1x1x1xf32>
    %gt3A_96 = vector.broadcast %scan3A_40#1 : i32 to vector<512x512xi32>
    %gt3A_97 = arith.cmpi sgt, %bitcast_convert_type3A_86, %gt3A_96 : vector<512x512xi32>
    %jit3A_98 = arith.constant 0.000000e+00 : f32
    %broadcast_in_dim3A_99 = vector.broadcast %jit3A_98 : f32 to vector<512x512xf32>
    %select_n3A_100 = arith.select %gt3A_97, %get3A_85, %broadcast_in_dim3A_99 : vector<512x512xi1>, vector<512x512xf32>
    %reduce_sum3A_101 = vector.shape_cast %select_n3A_100 : vector<512x512xf32> to vector<1x512x512xf32>
    %reduce_sum3A_102 = arith.constant dense<0.000000e+00> : vector<1xf32>
    %reduce_sum3A_103 = vector.multi_reduction <add>, %reduce_sum3A_101, %reduce_sum3A_102 [1, 2] : vector<1x512x512xf32> to vector<1xf32>
    %reduce_sum3A_104 = vector.shape_cast %reduce_sum3A_103 : vector<1xf32> to vector<1x1x1xf32>
    %reduce_sum3A_105 = vector.extract %reduce_sum3A_104[0, 0, 0] : f32 from vector<1x1x1xf32>
    %broadcast_in_dim3A_106 = vector.broadcast %scan3A_40#1 : i32 to vector<8x128xi32>
    %bitcast_convert_type3A_107 = tpu.bitcast %broadcast_in_dim3A_106 : vector<8x128xi32> -> vector<8x128xf32>
    %iota3A_108 = tpu.iota {dimensions = array<i32: 0>} : vector<8x128xi32>
    %eq3A_109 = arith.constant 0 : i32
    %eq3A_110 = vector.broadcast %eq3A_109 : i32 to vector<8x128xi32>
    %eq3A_111 = arith.cmpi eq, %iota3A_108, %eq3A_110 : vector<8x128xi32>
    %iota3A_112 = tpu.iota {dimensions = array<i32: 1>} : vector<8x128xi32>
    %eq3A_113 = arith.constant 0 : i32
    %eq3A_114 = vector.broadcast %eq3A_113 : i32 to vector<8x128xi32>
    %eq3A_115 = arith.cmpi eq, %iota3A_112, %eq3A_114 : vector<8x128xi32>
    %and3A_116 = arith.andi %eq3A_111, %eq3A_115 : vector<8x128xi1>
    %jit3A_117 = arith.constant 0.000000e+00 : f32
    %broadcast_in_dim3A_118 = vector.broadcast %jit3A_117 : f32 to vector<8x128xf32>
    %select_n3A_119 = arith.select %and3A_116, %bitcast_convert_type3A_107, %broadcast_in_dim3A_118 : vector<8x128xi1>, vector<8x128xf32>
    %reduce_sum3A_120 = vector.shape_cast %select_n3A_119 : vector<8x128xf32> to vector<1x8x128xf32>
    %reduce_sum3A_121 = arith.constant dense<0.000000e+00> : vector<1xf32>
    %reduce_sum3A_122 = vector.multi_reduction <add>, %reduce_sum3A_120, %reduce_sum3A_121 [1, 2] : vector<1x8x128xf32> to vector<1xf32>
    %reduce_sum3A_123 = vector.shape_cast %reduce_sum3A_122 : vector<1xf32> to vector<1x1x1xf32>
    %reduce_sum3A_124 = vector.extract %reduce_sum3A_123[0, 0, 0] : f32 from vector<1x1x1xf32>
    %add3A_125 = arith.addf %add3A_80, %reduce_sum3A_105 : f32
    %sub3A_126 = arith.constant 2.621400e+04 : f32
    %sub3A_127 = arith.subf %sub3A_126, %reduce_sum3A_95 : f32
    %mul3A_128 = arith.mulf %sub3A_127, %reduce_sum3A_124 : f32
    %add3A_129 = arith.addf %add3A_125, %mul3A_128 : f32
    %get3A_130 = arith.constant 2 : index
    %get3A_131 = arith.constant 0 : index
    %get3A_132 = arith.constant 0 : index
    %get3A_133 = vector.load %arg0[%get3A_130, %get3A_131, %get3A_132] : memref<4x512x512xf32, #tpu.memory_space<vmem>>, vector<1x512x512xf32>
    %get3A_134 = vector.shape_cast %get3A_133 : vector<1x512x512xf32> to vector<512x512xf32>
    %bitcast_convert_type3A_135 = tpu.bitcast %get3A_134 : vector<512x512xf32> -> vector<512x512xi32>
    %gt3A_136 = vector.broadcast %scan3A_40#2 : i32 to vector<512x512xi32>
    %gt3A_137 = arith.cmpi sgt, %bitcast_convert_type3A_135, %gt3A_136 : vector<512x512xi32>
    %convert_element_type3A_138 = arith.extui %gt3A_137 : vector<512x512xi1> to vector<512x512xi32>
    %convert_element_type3A_139 = arith.sitofp %convert_element_type3A_138 : vector<512x512xi32> to vector<512x512xf32>
    %reduce_sum3A_140 = vector.shape_cast %convert_element_type3A_139 : vector<512x512xf32> to vector<1x512x512xf32>
    %reduce_sum3A_141 = arith.constant dense<0.000000e+00> : vector<1xf32>
    %reduce_sum3A_142 = vector.multi_reduction <add>, %reduce_sum3A_140, %reduce_sum3A_141 [1, 2] : vector<1x512x512xf32> to vector<1xf32>
    %reduce_sum3A_143 = vector.shape_cast %reduce_sum3A_142 : vector<1xf32> to vector<1x1x1xf32>
    %reduce_sum3A_144 = vector.extract %reduce_sum3A_143[0, 0, 0] : f32 from vector<1x1x1xf32>
    %gt3A_145 = vector.broadcast %scan3A_40#2 : i32 to vector<512x512xi32>
    %gt3A_146 = arith.cmpi sgt, %bitcast_convert_type3A_135, %gt3A_145 : vector<512x512xi32>
    %jit3A_147 = arith.constant 0.000000e+00 : f32
    %broadcast_in_dim3A_148 = vector.broadcast %jit3A_147 : f32 to vector<512x512xf32>
    %select_n3A_149 = arith.select %gt3A_146, %get3A_134, %broadcast_in_dim3A_148 : vector<512x512xi1>, vector<512x512xf32>
    %reduce_sum3A_150 = vector.shape_cast %select_n3A_149 : vector<512x512xf32> to vector<1x512x512xf32>
    %reduce_sum3A_151 = arith.constant dense<0.000000e+00> : vector<1xf32>
    %reduce_sum3A_152 = vector.multi_reduction <add>, %reduce_sum3A_150, %reduce_sum3A_151 [1, 2] : vector<1x512x512xf32> to vector<1xf32>
    %reduce_sum3A_153 = vector.shape_cast %reduce_sum3A_152 : vector<1xf32> to vector<1x1x1xf32>
    %reduce_sum3A_154 = vector.extract %reduce_sum3A_153[0, 0, 0] : f32 from vector<1x1x1xf32>
    %broadcast_in_dim3A_155 = vector.broadcast %scan3A_40#2 : i32 to vector<8x128xi32>
    %bitcast_convert_type3A_156 = tpu.bitcast %broadcast_in_dim3A_155 : vector<8x128xi32> -> vector<8x128xf32>
    %iota3A_157 = tpu.iota {dimensions = array<i32: 0>} : vector<8x128xi32>
    %eq3A_158 = arith.constant 0 : i32
    %eq3A_159 = vector.broadcast %eq3A_158 : i32 to vector<8x128xi32>
    %eq3A_160 = arith.cmpi eq, %iota3A_157, %eq3A_159 : vector<8x128xi32>
    %iota3A_161 = tpu.iota {dimensions = array<i32: 1>} : vector<8x128xi32>
    %eq3A_162 = arith.constant 0 : i32
    %eq3A_163 = vector.broadcast %eq3A_162 : i32 to vector<8x128xi32>
    %eq3A_164 = arith.cmpi eq, %iota3A_161, %eq3A_163 : vector<8x128xi32>
    %and3A_165 = arith.andi %eq3A_160, %eq3A_164 : vector<8x128xi1>
    %jit3A_166 = arith.constant 0.000000e+00 : f32
    %broadcast_in_dim3A_167 = vector.broadcast %jit3A_166 : f32 to vector<8x128xf32>
    %select_n3A_168 = arith.select %and3A_165, %bitcast_convert_type3A_156, %broadcast_in_dim3A_167 : vector<8x128xi1>, vector<8x128xf32>
    %reduce_sum3A_169 = vector.shape_cast %select_n3A_168 : vector<8x128xf32> to vector<1x8x128xf32>
    %reduce_sum3A_170 = arith.constant dense<0.000000e+00> : vector<1xf32>
    %reduce_sum3A_171 = vector.multi_reduction <add>, %reduce_sum3A_169, %reduce_sum3A_170 [1, 2] : vector<1x8x128xf32> to vector<1xf32>
    %reduce_sum3A_172 = vector.shape_cast %reduce_sum3A_171 : vector<1xf32> to vector<1x1x1xf32>
    %reduce_sum3A_173 = vector.extract %reduce_sum3A_172[0, 0, 0] : f32 from vector<1x1x1xf32>
    %add3A_174 = arith.addf %add3A_129, %reduce_sum3A_154 : f32
    %sub3A_175 = arith.constant 2.621400e+04 : f32
    %sub3A_176 = arith.subf %sub3A_175, %reduce_sum3A_144 : f32
    %mul3A_177 = arith.mulf %sub3A_176, %reduce_sum3A_173 : f32
    %add3A_178 = arith.addf %add3A_174, %mul3A_177 : f32
    %get3A_179 = arith.constant 3 : index
    %get3A_180 = arith.constant 0 : index
    %get3A_181 = arith.constant 0 : index
    %get3A_182 = vector.load %arg0[%get3A_179, %get3A_180, %get3A_181] : memref<4x512x512xf32, #tpu.memory_space<vmem>>, vector<1x512x512xf32>
    %get3A_183 = vector.shape_cast %get3A_182 : vector<1x512x512xf32> to vector<512x512xf32>
    %bitcast_convert_type3A_184 = tpu.bitcast %get3A_183 : vector<512x512xf32> -> vector<512x512xi32>
    %gt3A_185 = vector.broadcast %scan3A_40#3 : i32 to vector<512x512xi32>
    %gt3A_186 = arith.cmpi sgt, %bitcast_convert_type3A_184, %gt3A_185 : vector<512x512xi32>
    %convert_element_type3A_187 = arith.extui %gt3A_186 : vector<512x512xi1> to vector<512x512xi32>
    %convert_element_type3A_188 = arith.sitofp %convert_element_type3A_187 : vector<512x512xi32> to vector<512x512xf32>
    %reduce_sum3A_189 = vector.shape_cast %convert_element_type3A_188 : vector<512x512xf32> to vector<1x512x512xf32>
    %reduce_sum3A_190 = arith.constant dense<0.000000e+00> : vector<1xf32>
    %reduce_sum3A_191 = vector.multi_reduction <add>, %reduce_sum3A_189, %reduce_sum3A_190 [1, 2] : vector<1x512x512xf32> to vector<1xf32>
    %reduce_sum3A_192 = vector.shape_cast %reduce_sum3A_191 : vector<1xf32> to vector<1x1x1xf32>
    %reduce_sum3A_193 = vector.extract %reduce_sum3A_192[0, 0, 0] : f32 from vector<1x1x1xf32>
    %gt3A_194 = vector.broadcast %scan3A_40#3 : i32 to vector<512x512xi32>
    %gt3A_195 = arith.cmpi sgt, %bitcast_convert_type3A_184, %gt3A_194 : vector<512x512xi32>
    %jit3A_196 = arith.constant 0.000000e+00 : f32
    %broadcast_in_dim3A_197 = vector.broadcast %jit3A_196 : f32 to vector<512x512xf32>
    %select_n3A_198 = arith.select %gt3A_195, %get3A_183, %broadcast_in_dim3A_197 : vector<512x512xi1>, vector<512x512xf32>
    %reduce_sum3A_199 = vector.shape_cast %select_n3A_198 : vector<512x512xf32> to vector<1x512x512xf32>
    %reduce_sum3A_200 = arith.constant dense<0.000000e+00> : vector<1xf32>
    %reduce_sum3A_201 = vector.multi_reduction <add>, %reduce_sum3A_199, %reduce_sum3A_200 [1, 2] : vector<1x512x512xf32> to vector<1xf32>
    %reduce_sum3A_202 = vector.shape_cast %reduce_sum3A_201 : vector<1xf32> to vector<1x1x1xf32>
    %reduce_sum3A_203 = vector.extract %reduce_sum3A_202[0, 0, 0] : f32 from vector<1x1x1xf32>
    %broadcast_in_dim3A_204 = vector.broadcast %scan3A_40#3 : i32 to vector<8x128xi32>
    %bitcast_convert_type3A_205 = tpu.bitcast %broadcast_in_dim3A_204 : vector<8x128xi32> -> vector<8x128xf32>
    %iota3A_206 = tpu.iota {dimensions = array<i32: 0>} : vector<8x128xi32>
    %eq3A_207 = arith.constant 0 : i32
    %eq3A_208 = vector.broadcast %eq3A_207 : i32 to vector<8x128xi32>
    %eq3A_209 = arith.cmpi eq, %iota3A_206, %eq3A_208 : vector<8x128xi32>
    %iota3A_210 = tpu.iota {dimensions = array<i32: 1>} : vector<8x128xi32>
    %eq3A_211 = arith.constant 0 : i32
    %eq3A_212 = vector.broadcast %eq3A_211 : i32 to vector<8x128xi32>
    %eq3A_213 = arith.cmpi eq, %iota3A_210, %eq3A_212 : vector<8x128xi32>
    %and3A_214 = arith.andi %eq3A_209, %eq3A_213 : vector<8x128xi1>
    %jit3A_215 = arith.constant 0.000000e+00 : f32
    %broadcast_in_dim3A_216 = vector.broadcast %jit3A_215 : f32 to vector<8x128xf32>
    %select_n3A_217 = arith.select %and3A_214, %bitcast_convert_type3A_205, %broadcast_in_dim3A_216 : vector<8x128xi1>, vector<8x128xf32>
    %reduce_sum3A_218 = vector.shape_cast %select_n3A_217 : vector<8x128xf32> to vector<1x8x128xf32>
    %reduce_sum3A_219 = arith.constant dense<0.000000e+00> : vector<1xf32>
    %reduce_sum3A_220 = vector.multi_reduction <add>, %reduce_sum3A_218, %reduce_sum3A_219 [1, 2] : vector<1x8x128xf32> to vector<1xf32>
    %reduce_sum3A_221 = vector.shape_cast %reduce_sum3A_220 : vector<1xf32> to vector<1x1x1xf32>
    %reduce_sum3A_222 = vector.extract %reduce_sum3A_221[0, 0, 0] : f32 from vector<1x1x1xf32>
    %add3A_223 = arith.addf %add3A_178, %reduce_sum3A_203 : f32
    %sub3A_224 = arith.constant 2.621400e+04 : f32
    %sub3A_225 = arith.subf %sub3A_224, %reduce_sum3A_193 : f32
    %mul3A_226 = arith.mulf %sub3A_225, %reduce_sum3A_222 : f32
    %add3A_227 = arith.addf %add3A_223, %mul3A_226 : f32
    %div3A = arith.constant 1.048560e+05 : f32
    %div3A_228 = arith.divf %add3A_227, %div3A : f32
    %get3A_229 = arith.constant 0 : index
    %get3A_230 = arith.constant 0 : index
    %get3A_231 = memref.load %arg2[%get3A_229, %get3A_230] : memref<1x4xf32, #tpu.memory_space<smem>>
    %get3A_232 = arith.constant 0 : index
    %get3A_233 = arith.constant 1 : index
    %get3A_234 = memref.load %arg2[%get3A_232, %get3A_233] : memref<1x4xf32, #tpu.memory_space<smem>>
    %max3A = arith.constant 1.000000e+00 : f32
    %max3A_235 = arith.maximumf %get3A_234, %max3A : f32
    %div3A_236 = arith.divf %get3A_231, %max3A_235 : f32
    %get3A_237 = arith.constant 0 : index
    %get3A_238 = arith.constant 2 : index
    %get3A_239 = memref.load %arg2[%get3A_237, %get3A_238] : memref<1x4xf32, #tpu.memory_space<smem>>
    %get3A_240 = arith.constant 0 : index
    %get3A_241 = arith.constant 3 : index
    %get3A_242 = memref.load %arg2[%get3A_240, %get3A_241] : memref<1x4xf32, #tpu.memory_space<smem>>
    %max3A_243 = arith.constant 1.000000e+00 : f32
    %max3A_244 = arith.maximumf %get3A_242, %max3A_243 : f32
    %div3A_245 = arith.divf %get3A_239, %max3A_244 : f32
    %add3A_246 = arith.addf %div3A_228, %div3A_236 : f32
    %add3A_247 = arith.addf %add3A_246, %div3A_245 : f32
    %swap3A = arith.constant 0 : index
    %swap3A_248 = arith.constant 0 : index
    %swap3A_249 = memref.load %arg3[%swap3A, %swap3A_248] : memref<1x1xf32, #tpu.memory_space<smem>>
    memref.store %add3A_247, %arg3[%swap3A, %swap3A_248] : memref<1x1xf32, #tpu.memory_space<smem>>
    return
  }
}

module attributes {stable_mosaic.version = 14 : i64} {
  func.func @_sums_body(%arg0: i32, %arg1: i32, %arg2: memref<1x10x128x512xf32, #tpu.memory_space<vmem>>, %arg3: memref<1x2x128x512xf32, #tpu.memory_space<vmem>>, %arg4: memref<1x1x128x512xf32, #tpu.memory_space<vmem>>, %arg5: memref<1x10x128x512xf32, #tpu.memory_space<vmem>>, %arg6: memref<1x2x128x512xf32, #tpu.memory_space<vmem>>, %arg7: memref<1x4xf32, #tpu.memory_space<smem>>, %arg8: memref<4xf32, #tpu.memory_space<smem>>) attributes {dimension_semantics = [#tpu.dimension_semantics<arbitrary>, #tpu.dimension_semantics<arbitrary>], iteration_bounds = array<i64: 4, 4>, scalar_prefetch = 0 : i64, scratch_operands = 1 : i64, tpu.core_type = #tpu.core_type<tc>, window_params = [{transform_indices = @transform_0, window_bounds = array<i64: 1, 10, 128, 512>}, {transform_indices = @transform_1, window_bounds = array<i64: 1, 2, 128, 512>}, {transform_indices = @transform_2, window_bounds = array<i64: 1, 1, 128, 512>}, {transform_indices = @transform_3, window_bounds = array<i64: 1, 10, 128, 512>}, {transform_indices = @transform_4, window_bounds = array<i64: 1, 2, 128, 512>}, {transform_indices = @transform_5, window_bounds = array<i64: 1, 4>}]} {
    %get3A = arith.constant 0 : index
    %get3A_0 = arith.constant 0 : index
    %get3A_1 = arith.constant 0 : index
    %get3A_2 = arith.constant 0 : index
    %get3A_3 = vector.load %arg2[%get3A, %get3A_0, %get3A_1, %get3A_2] : memref<1x10x128x512xf32, #tpu.memory_space<vmem>>, vector<1x1x128x512xf32>
    %get3A_4 = vector.shape_cast %get3A_3 : vector<1x1x128x512xf32> to vector<128x512xf32>
    %get3A_5 = arith.constant 0 : index
    %get3A_6 = arith.constant 1 : index
    %get3A_7 = arith.constant 0 : index
    %get3A_8 = arith.constant 0 : index
    %get3A_9 = vector.load %arg2[%get3A_5, %get3A_6, %get3A_7, %get3A_8] : memref<1x10x128x512xf32, #tpu.memory_space<vmem>>, vector<1x1x128x512xf32>
    %get3A_10 = vector.shape_cast %get3A_9 : vector<1x1x128x512xf32> to vector<128x512xf32>
    %max3A = arith.maximumf %get3A_4, %get3A_10 : vector<128x512xf32>
    %get3A_11 = arith.constant 0 : index
    %get3A_12 = arith.constant 2 : index
    %get3A_13 = arith.constant 0 : index
    %get3A_14 = arith.constant 0 : index
    %get3A_15 = vector.load %arg2[%get3A_11, %get3A_12, %get3A_13, %get3A_14] : memref<1x10x128x512xf32, #tpu.memory_space<vmem>>, vector<1x1x128x512xf32>
    %get3A_16 = vector.shape_cast %get3A_15 : vector<1x1x128x512xf32> to vector<128x512xf32>
    %max3A_17 = arith.maximumf %max3A, %get3A_16 : vector<128x512xf32>
    %get3A_18 = arith.constant 0 : index
    %get3A_19 = arith.constant 3 : index
    %get3A_20 = arith.constant 0 : index
    %get3A_21 = arith.constant 0 : index
    %get3A_22 = vector.load %arg2[%get3A_18, %get3A_19, %get3A_20, %get3A_21] : memref<1x10x128x512xf32, #tpu.memory_space<vmem>>, vector<1x1x128x512xf32>
    %get3A_23 = vector.shape_cast %get3A_22 : vector<1x1x128x512xf32> to vector<128x512xf32>
    %max3A_24 = arith.maximumf %max3A_17, %get3A_23 : vector<128x512xf32>
    %get3A_25 = arith.constant 0 : index
    %get3A_26 = arith.constant 4 : index
    %get3A_27 = arith.constant 0 : index
    %get3A_28 = arith.constant 0 : index
    %get3A_29 = vector.load %arg2[%get3A_25, %get3A_26, %get3A_27, %get3A_28] : memref<1x10x128x512xf32, #tpu.memory_space<vmem>>, vector<1x1x128x512xf32>
    %get3A_30 = vector.shape_cast %get3A_29 : vector<1x1x128x512xf32> to vector<128x512xf32>
    %max3A_31 = arith.maximumf %max3A_24, %get3A_30 : vector<128x512xf32>
    %get3A_32 = arith.constant 0 : index
    %get3A_33 = arith.constant 5 : index
    %get3A_34 = arith.constant 0 : index
    %get3A_35 = arith.constant 0 : index
    %get3A_36 = vector.load %arg2[%get3A_32, %get3A_33, %get3A_34, %get3A_35] : memref<1x10x128x512xf32, #tpu.memory_space<vmem>>, vector<1x1x128x512xf32>
    %get3A_37 = vector.shape_cast %get3A_36 : vector<1x1x128x512xf32> to vector<128x512xf32>
    %max3A_38 = arith.maximumf %max3A_31, %get3A_37 : vector<128x512xf32>
    %get3A_39 = arith.constant 0 : index
    %get3A_40 = arith.constant 6 : index
    %get3A_41 = arith.constant 0 : index
    %get3A_42 = arith.constant 0 : index
    %get3A_43 = vector.load %arg2[%get3A_39, %get3A_40, %get3A_41, %get3A_42] : memref<1x10x128x512xf32, #tpu.memory_space<vmem>>, vector<1x1x128x512xf32>
    %get3A_44 = vector.shape_cast %get3A_43 : vector<1x1x128x512xf32> to vector<128x512xf32>
    %max3A_45 = arith.maximumf %max3A_38, %get3A_44 : vector<128x512xf32>
    %get3A_46 = arith.constant 0 : index
    %get3A_47 = arith.constant 7 : index
    %get3A_48 = arith.constant 0 : index
    %get3A_49 = arith.constant 0 : index
    %get3A_50 = vector.load %arg2[%get3A_46, %get3A_47, %get3A_48, %get3A_49] : memref<1x10x128x512xf32, #tpu.memory_space<vmem>>, vector<1x1x128x512xf32>
    %get3A_51 = vector.shape_cast %get3A_50 : vector<1x1x128x512xf32> to vector<128x512xf32>
    %max3A_52 = arith.maximumf %max3A_45, %get3A_51 : vector<128x512xf32>
    %get3A_53 = arith.constant 0 : index
    %get3A_54 = arith.constant 8 : index
    %get3A_55 = arith.constant 0 : index
    %get3A_56 = arith.constant 0 : index
    %get3A_57 = vector.load %arg2[%get3A_53, %get3A_54, %get3A_55, %get3A_56] : memref<1x10x128x512xf32, #tpu.memory_space<vmem>>, vector<1x1x128x512xf32>
    %get3A_58 = vector.shape_cast %get3A_57 : vector<1x1x128x512xf32> to vector<128x512xf32>
    %max3A_59 = arith.maximumf %max3A_52, %get3A_58 : vector<128x512xf32>
    %get3A_60 = arith.constant 0 : index
    %get3A_61 = arith.constant 9 : index
    %get3A_62 = arith.constant 0 : index
    %get3A_63 = arith.constant 0 : index
    %get3A_64 = vector.load %arg2[%get3A_60, %get3A_61, %get3A_62, %get3A_63] : memref<1x10x128x512xf32, #tpu.memory_space<vmem>>, vector<1x1x128x512xf32>
    %get3A_65 = vector.shape_cast %get3A_64 : vector<1x1x128x512xf32> to vector<128x512xf32>
    %max3A_66 = arith.maximumf %max3A_59, %get3A_65 : vector<128x512xf32>
    %get3A_67 = arith.constant 0 : index
    %get3A_68 = arith.constant 0 : index
    %get3A_69 = arith.constant 0 : index
    %get3A_70 = arith.constant 0 : index
    %get3A_71 = vector.load %arg2[%get3A_67, %get3A_68, %get3A_69, %get3A_70] : memref<1x10x128x512xf32, #tpu.memory_space<vmem>>, vector<1x1x128x512xf32>
    %get3A_72 = vector.shape_cast %get3A_71 : vector<1x1x128x512xf32> to vector<128x512xf32>
    %sub3A = arith.subf %get3A_72, %max3A_66 : vector<128x512xf32>
    %exp3A = math.exp %sub3A : vector<128x512xf32>
    %get3A_73 = arith.constant 0 : index
    %get3A_74 = arith.constant 1 : index
    %get3A_75 = arith.constant 0 : index
    %get3A_76 = arith.constant 0 : index
    %get3A_77 = vector.load %arg2[%get3A_73, %get3A_74, %get3A_75, %get3A_76] : memref<1x10x128x512xf32, #tpu.memory_space<vmem>>, vector<1x1x128x512xf32>
    %get3A_78 = vector.shape_cast %get3A_77 : vector<1x1x128x512xf32> to vector<128x512xf32>
    %sub3A_79 = arith.subf %get3A_78, %max3A_66 : vector<128x512xf32>
    %exp3A_80 = math.exp %sub3A_79 : vector<128x512xf32>
    %add3A = arith.addf %exp3A, %exp3A_80 : vector<128x512xf32>
    %get3A_81 = arith.constant 0 : index
    %get3A_82 = arith.constant 2 : index
    %get3A_83 = arith.constant 0 : index
    %get3A_84 = arith.constant 0 : index
    %get3A_85 = vector.load %arg2[%get3A_81, %get3A_82, %get3A_83, %get3A_84] : memref<1x10x128x512xf32, #tpu.memory_space<vmem>>, vector<1x1x128x512xf32>
    %get3A_86 = vector.shape_cast %get3A_85 : vector<1x1x128x512xf32> to vector<128x512xf32>
    %sub3A_87 = arith.subf %get3A_86, %max3A_66 : vector<128x512xf32>
    %exp3A_88 = math.exp %sub3A_87 : vector<128x512xf32>
    %add3A_89 = arith.addf %add3A, %exp3A_88 : vector<128x512xf32>
    %get3A_90 = arith.constant 0 : index
    %get3A_91 = arith.constant 3 : index
    %get3A_92 = arith.constant 0 : index
    %get3A_93 = arith.constant 0 : index
    %get3A_94 = vector.load %arg2[%get3A_90, %get3A_91, %get3A_92, %get3A_93] : memref<1x10x128x512xf32, #tpu.memory_space<vmem>>, vector<1x1x128x512xf32>
    %get3A_95 = vector.shape_cast %get3A_94 : vector<1x1x128x512xf32> to vector<128x512xf32>
    %sub3A_96 = arith.subf %get3A_95, %max3A_66 : vector<128x512xf32>
    %exp3A_97 = math.exp %sub3A_96 : vector<128x512xf32>
    %add3A_98 = arith.addf %add3A_89, %exp3A_97 : vector<128x512xf32>
    %get3A_99 = arith.constant 0 : index
    %get3A_100 = arith.constant 4 : index
    %get3A_101 = arith.constant 0 : index
    %get3A_102 = arith.constant 0 : index
    %get3A_103 = vector.load %arg2[%get3A_99, %get3A_100, %get3A_101, %get3A_102] : memref<1x10x128x512xf32, #tpu.memory_space<vmem>>, vector<1x1x128x512xf32>
    %get3A_104 = vector.shape_cast %get3A_103 : vector<1x1x128x512xf32> to vector<128x512xf32>
    %sub3A_105 = arith.subf %get3A_104, %max3A_66 : vector<128x512xf32>
    %exp3A_106 = math.exp %sub3A_105 : vector<128x512xf32>
    %add3A_107 = arith.addf %add3A_98, %exp3A_106 : vector<128x512xf32>
    %get3A_108 = arith.constant 0 : index
    %get3A_109 = arith.constant 5 : index
    %get3A_110 = arith.constant 0 : index
    %get3A_111 = arith.constant 0 : index
    %get3A_112 = vector.load %arg2[%get3A_108, %get3A_109, %get3A_110, %get3A_111] : memref<1x10x128x512xf32, #tpu.memory_space<vmem>>, vector<1x1x128x512xf32>
    %get3A_113 = vector.shape_cast %get3A_112 : vector<1x1x128x512xf32> to vector<128x512xf32>
    %sub3A_114 = arith.subf %get3A_113, %max3A_66 : vector<128x512xf32>
    %exp3A_115 = math.exp %sub3A_114 : vector<128x512xf32>
    %add3A_116 = arith.addf %add3A_107, %exp3A_115 : vector<128x512xf32>
    %get3A_117 = arith.constant 0 : index
    %get3A_118 = arith.constant 6 : index
    %get3A_119 = arith.constant 0 : index
    %get3A_120 = arith.constant 0 : index
    %get3A_121 = vector.load %arg2[%get3A_117, %get3A_118, %get3A_119, %get3A_120] : memref<1x10x128x512xf32, #tpu.memory_space<vmem>>, vector<1x1x128x512xf32>
    %get3A_122 = vector.shape_cast %get3A_121 : vector<1x1x128x512xf32> to vector<128x512xf32>
    %sub3A_123 = arith.subf %get3A_122, %max3A_66 : vector<128x512xf32>
    %exp3A_124 = math.exp %sub3A_123 : vector<128x512xf32>
    %add3A_125 = arith.addf %add3A_116, %exp3A_124 : vector<128x512xf32>
    %get3A_126 = arith.constant 0 : index
    %get3A_127 = arith.constant 7 : index
    %get3A_128 = arith.constant 0 : index
    %get3A_129 = arith.constant 0 : index
    %get3A_130 = vector.load %arg2[%get3A_126, %get3A_127, %get3A_128, %get3A_129] : memref<1x10x128x512xf32, #tpu.memory_space<vmem>>, vector<1x1x128x512xf32>
    %get3A_131 = vector.shape_cast %get3A_130 : vector<1x1x128x512xf32> to vector<128x512xf32>
    %sub3A_132 = arith.subf %get3A_131, %max3A_66 : vector<128x512xf32>
    %exp3A_133 = math.exp %sub3A_132 : vector<128x512xf32>
    %add3A_134 = arith.addf %add3A_125, %exp3A_133 : vector<128x512xf32>
    %get3A_135 = arith.constant 0 : index
    %get3A_136 = arith.constant 8 : index
    %get3A_137 = arith.constant 0 : index
    %get3A_138 = arith.constant 0 : index
    %get3A_139 = vector.load %arg2[%get3A_135, %get3A_136, %get3A_137, %get3A_138] : memref<1x10x128x512xf32, #tpu.memory_space<vmem>>, vector<1x1x128x512xf32>
    %get3A_140 = vector.shape_cast %get3A_139 : vector<1x1x128x512xf32> to vector<128x512xf32>
    %sub3A_141 = arith.subf %get3A_140, %max3A_66 : vector<128x512xf32>
    %exp3A_142 = math.exp %sub3A_141 : vector<128x512xf32>
    %add3A_143 = arith.addf %add3A_134, %exp3A_142 : vector<128x512xf32>
    %get3A_144 = arith.constant 0 : index
    %get3A_145 = arith.constant 9 : index
    %get3A_146 = arith.constant 0 : index
    %get3A_147 = arith.constant 0 : index
    %get3A_148 = vector.load %arg2[%get3A_144, %get3A_145, %get3A_146, %get3A_147] : memref<1x10x128x512xf32, #tpu.memory_space<vmem>>, vector<1x1x128x512xf32>
    %get3A_149 = vector.shape_cast %get3A_148 : vector<1x1x128x512xf32> to vector<128x512xf32>
    %sub3A_150 = arith.subf %get3A_149, %max3A_66 : vector<128x512xf32>
    %exp3A_151 = math.exp %sub3A_150 : vector<128x512xf32>
    %add3A_152 = arith.addf %add3A_143, %exp3A_151 : vector<128x512xf32>
    %log3A = math.log %add3A_152 : vector<128x512xf32>
    %add3A_153 = arith.addf %max3A_66, %log3A : vector<128x512xf32>
    %get3A_154 = arith.constant 0 : index
    %get3A_155 = arith.constant 0 : index
    %get3A_156 = arith.constant 0 : index
    %get3A_157 = arith.constant 0 : index
    %get3A_158 = vector.load %arg5[%get3A_154, %get3A_155, %get3A_156, %get3A_157] : memref<1x10x128x512xf32, #tpu.memory_space<vmem>>, vector<1x1x128x512xf32>
    %get3A_159 = vector.shape_cast %get3A_158 : vector<1x1x128x512xf32> to vector<128x512xf32>
    %get3A_160 = arith.constant 0 : index
    %get3A_161 = arith.constant 0 : index
    %get3A_162 = arith.constant 0 : index
    %get3A_163 = arith.constant 0 : index
    %get3A_164 = vector.load %arg2[%get3A_160, %get3A_161, %get3A_162, %get3A_163] : memref<1x10x128x512xf32, #tpu.memory_space<vmem>>, vector<1x1x128x512xf32>
    %get3A_165 = vector.shape_cast %get3A_164 : vector<1x1x128x512xf32> to vector<128x512xf32>
    %get3A_166 = arith.constant 0 : index
    %get3A_167 = arith.constant 1 : index
    %get3A_168 = arith.constant 0 : index
    %get3A_169 = arith.constant 0 : index
    %get3A_170 = vector.load %arg5[%get3A_166, %get3A_167, %get3A_168, %get3A_169] : memref<1x10x128x512xf32, #tpu.memory_space<vmem>>, vector<1x1x128x512xf32>
    %get3A_171 = vector.shape_cast %get3A_170 : vector<1x1x128x512xf32> to vector<128x512xf32>
    %gt3A = arith.cmpf ogt, %get3A_171, %get3A_159 : vector<128x512xf32>
    %select_n3A = arith.select %gt3A, %get3A_171, %get3A_159 : vector<128x512xi1>, vector<128x512xf32>
    %get3A_172 = arith.constant 0 : index
    %get3A_173 = arith.constant 1 : index
    %get3A_174 = arith.constant 0 : index
    %get3A_175 = arith.constant 0 : index
    %get3A_176 = vector.load %arg2[%get3A_172, %get3A_173, %get3A_174, %get3A_175] : memref<1x10x128x512xf32, #tpu.memory_space<vmem>>, vector<1x1x128x512xf32>
    %get3A_177 = vector.shape_cast %get3A_176 : vector<1x1x128x512xf32> to vector<128x512xf32>
    %select_n3A_178 = arith.select %gt3A, %get3A_177, %get3A_165 : vector<128x512xi1>, vector<128x512xf32>
    %get3A_179 = arith.constant 0 : index
    %get3A_180 = arith.constant 2 : index
    %get3A_181 = arith.constant 0 : index
    %get3A_182 = arith.constant 0 : index
    %get3A_183 = vector.load %arg5[%get3A_179, %get3A_180, %get3A_181, %get3A_182] : memref<1x10x128x512xf32, #tpu.memory_space<vmem>>, vector<1x1x128x512xf32>
    %get3A_184 = vector.shape_cast %get3A_183 : vector<1x1x128x512xf32> to vector<128x512xf32>
    %gt3A_185 = arith.cmpf ogt, %get3A_184, %select_n3A : vector<128x512xf32>
    %select_n3A_186 = arith.select %gt3A_185, %get3A_184, %select_n3A : vector<128x512xi1>, vector<128x512xf32>
    %get3A_187 = arith.constant 0 : index
    %get3A_188 = arith.constant 2 : index
    %get3A_189 = arith.constant 0 : index
    %get3A_190 = arith.constant 0 : index
    %get3A_191 = vector.load %arg2[%get3A_187, %get3A_188, %get3A_189, %get3A_190] : memref<1x10x128x512xf32, #tpu.memory_space<vmem>>, vector<1x1x128x512xf32>
    %get3A_192 = vector.shape_cast %get3A_191 : vector<1x1x128x512xf32> to vector<128x512xf32>
    %select_n3A_193 = arith.select %gt3A_185, %get3A_192, %select_n3A_178 : vector<128x512xi1>, vector<128x512xf32>
    %get3A_194 = arith.constant 0 : index
    %get3A_195 = arith.constant 3 : index
    %get3A_196 = arith.constant 0 : index
    %get3A_197 = arith.constant 0 : index
    %get3A_198 = vector.load %arg5[%get3A_194, %get3A_195, %get3A_196, %get3A_197] : memref<1x10x128x512xf32, #tpu.memory_space<vmem>>, vector<1x1x128x512xf32>
    %get3A_199 = vector.shape_cast %get3A_198 : vector<1x1x128x512xf32> to vector<128x512xf32>
    %gt3A_200 = arith.cmpf ogt, %get3A_199, %select_n3A_186 : vector<128x512xf32>
    %select_n3A_201 = arith.select %gt3A_200, %get3A_199, %select_n3A_186 : vector<128x512xi1>, vector<128x512xf32>
    %get3A_202 = arith.constant 0 : index
    %get3A_203 = arith.constant 3 : index
    %get3A_204 = arith.constant 0 : index
    %get3A_205 = arith.constant 0 : index
    %get3A_206 = vector.load %arg2[%get3A_202, %get3A_203, %get3A_204, %get3A_205] : memref<1x10x128x512xf32, #tpu.memory_space<vmem>>, vector<1x1x128x512xf32>
    %get3A_207 = vector.shape_cast %get3A_206 : vector<1x1x128x512xf32> to vector<128x512xf32>
    %select_n3A_208 = arith.select %gt3A_200, %get3A_207, %select_n3A_193 : vector<128x512xi1>, vector<128x512xf32>
    %get3A_209 = arith.constant 0 : index
    %get3A_210 = arith.constant 4 : index
    %get3A_211 = arith.constant 0 : index
    %get3A_212 = arith.constant 0 : index
    %get3A_213 = vector.load %arg5[%get3A_209, %get3A_210, %get3A_211, %get3A_212] : memref<1x10x128x512xf32, #tpu.memory_space<vmem>>, vector<1x1x128x512xf32>
    %get3A_214 = vector.shape_cast %get3A_213 : vector<1x1x128x512xf32> to vector<128x512xf32>
    %gt3A_215 = arith.cmpf ogt, %get3A_214, %select_n3A_201 : vector<128x512xf32>
    %select_n3A_216 = arith.select %gt3A_215, %get3A_214, %select_n3A_201 : vector<128x512xi1>, vector<128x512xf32>
    %get3A_217 = arith.constant 0 : index
    %get3A_218 = arith.constant 4 : index
    %get3A_219 = arith.constant 0 : index
    %get3A_220 = arith.constant 0 : index
    %get3A_221 = vector.load %arg2[%get3A_217, %get3A_218, %get3A_219, %get3A_220] : memref<1x10x128x512xf32, #tpu.memory_space<vmem>>, vector<1x1x128x512xf32>
    %get3A_222 = vector.shape_cast %get3A_221 : vector<1x1x128x512xf32> to vector<128x512xf32>
    %select_n3A_223 = arith.select %gt3A_215, %get3A_222, %select_n3A_208 : vector<128x512xi1>, vector<128x512xf32>
    %get3A_224 = arith.constant 0 : index
    %get3A_225 = arith.constant 5 : index
    %get3A_226 = arith.constant 0 : index
    %get3A_227 = arith.constant 0 : index
    %get3A_228 = vector.load %arg5[%get3A_224, %get3A_225, %get3A_226, %get3A_227] : memref<1x10x128x512xf32, #tpu.memory_space<vmem>>, vector<1x1x128x512xf32>
    %get3A_229 = vector.shape_cast %get3A_228 : vector<1x1x128x512xf32> to vector<128x512xf32>
    %gt3A_230 = arith.cmpf ogt, %get3A_229, %select_n3A_216 : vector<128x512xf32>
    %select_n3A_231 = arith.select %gt3A_230, %get3A_229, %select_n3A_216 : vector<128x512xi1>, vector<128x512xf32>
    %get3A_232 = arith.constant 0 : index
    %get3A_233 = arith.constant 5 : index
    %get3A_234 = arith.constant 0 : index
    %get3A_235 = arith.constant 0 : index
    %get3A_236 = vector.load %arg2[%get3A_232, %get3A_233, %get3A_234, %get3A_235] : memref<1x10x128x512xf32, #tpu.memory_space<vmem>>, vector<1x1x128x512xf32>
    %get3A_237 = vector.shape_cast %get3A_236 : vector<1x1x128x512xf32> to vector<128x512xf32>
    %select_n3A_238 = arith.select %gt3A_230, %get3A_237, %select_n3A_223 : vector<128x512xi1>, vector<128x512xf32>
    %get3A_239 = arith.constant 0 : index
    %get3A_240 = arith.constant 6 : index
    %get3A_241 = arith.constant 0 : index
    %get3A_242 = arith.constant 0 : index
    %get3A_243 = vector.load %arg5[%get3A_239, %get3A_240, %get3A_241, %get3A_242] : memref<1x10x128x512xf32, #tpu.memory_space<vmem>>, vector<1x1x128x512xf32>
    %get3A_244 = vector.shape_cast %get3A_243 : vector<1x1x128x512xf32> to vector<128x512xf32>
    %gt3A_245 = arith.cmpf ogt, %get3A_244, %select_n3A_231 : vector<128x512xf32>
    %select_n3A_246 = arith.select %gt3A_245, %get3A_244, %select_n3A_231 : vector<128x512xi1>, vector<128x512xf32>
    %get3A_247 = arith.constant 0 : index
    %get3A_248 = arith.constant 6 : index
    %get3A_249 = arith.constant 0 : index
    %get3A_250 = arith.constant 0 : index
    %get3A_251 = vector.load %arg2[%get3A_247, %get3A_248, %get3A_249, %get3A_250] : memref<1x10x128x512xf32, #tpu.memory_space<vmem>>, vector<1x1x128x512xf32>
    %get3A_252 = vector.shape_cast %get3A_251 : vector<1x1x128x512xf32> to vector<128x512xf32>
    %select_n3A_253 = arith.select %gt3A_245, %get3A_252, %select_n3A_238 : vector<128x512xi1>, vector<128x512xf32>
    %get3A_254 = arith.constant 0 : index
    %get3A_255 = arith.constant 7 : index
    %get3A_256 = arith.constant 0 : index
    %get3A_257 = arith.constant 0 : index
    %get3A_258 = vector.load %arg5[%get3A_254, %get3A_255, %get3A_256, %get3A_257] : memref<1x10x128x512xf32, #tpu.memory_space<vmem>>, vector<1x1x128x512xf32>
    %get3A_259 = vector.shape_cast %get3A_258 : vector<1x1x128x512xf32> to vector<128x512xf32>
    %gt3A_260 = arith.cmpf ogt, %get3A_259, %select_n3A_246 : vector<128x512xf32>
    %select_n3A_261 = arith.select %gt3A_260, %get3A_259, %select_n3A_246 : vector<128x512xi1>, vector<128x512xf32>
    %get3A_262 = arith.constant 0 : index
    %get3A_263 = arith.constant 7 : index
    %get3A_264 = arith.constant 0 : index
    %get3A_265 = arith.constant 0 : index
    %get3A_266 = vector.load %arg2[%get3A_262, %get3A_263, %get3A_264, %get3A_265] : memref<1x10x128x512xf32, #tpu.memory_space<vmem>>, vector<1x1x128x512xf32>
    %get3A_267 = vector.shape_cast %get3A_266 : vector<1x1x128x512xf32> to vector<128x512xf32>
    %select_n3A_268 = arith.select %gt3A_260, %get3A_267, %select_n3A_253 : vector<128x512xi1>, vector<128x512xf32>
    %get3A_269 = arith.constant 0 : index
    %get3A_270 = arith.constant 8 : index
    %get3A_271 = arith.constant 0 : index
    %get3A_272 = arith.constant 0 : index
    %get3A_273 = vector.load %arg5[%get3A_269, %get3A_270, %get3A_271, %get3A_272] : memref<1x10x128x512xf32, #tpu.memory_space<vmem>>, vector<1x1x128x512xf32>
    %get3A_274 = vector.shape_cast %get3A_273 : vector<1x1x128x512xf32> to vector<128x512xf32>
    %gt3A_275 = arith.cmpf ogt, %get3A_274, %select_n3A_261 : vector<128x512xf32>
    %select_n3A_276 = arith.select %gt3A_275, %get3A_274, %select_n3A_261 : vector<128x512xi1>, vector<128x512xf32>
    %get3A_277 = arith.constant 0 : index
    %get3A_278 = arith.constant 8 : index
    %get3A_279 = arith.constant 0 : index
    %get3A_280 = arith.constant 0 : index
    %get3A_281 = vector.load %arg2[%get3A_277, %get3A_278, %get3A_279, %get3A_280] : memref<1x10x128x512xf32, #tpu.memory_space<vmem>>, vector<1x1x128x512xf32>
    %get3A_282 = vector.shape_cast %get3A_281 : vector<1x1x128x512xf32> to vector<128x512xf32>
    %select_n3A_283 = arith.select %gt3A_275, %get3A_282, %select_n3A_268 : vector<128x512xi1>, vector<128x512xf32>
    %get3A_284 = arith.constant 0 : index
    %get3A_285 = arith.constant 9 : index
    %get3A_286 = arith.constant 0 : index
    %get3A_287 = arith.constant 0 : index
    %get3A_288 = vector.load %arg5[%get3A_284, %get3A_285, %get3A_286, %get3A_287] : memref<1x10x128x512xf32, #tpu.memory_space<vmem>>, vector<1x1x128x512xf32>
    %get3A_289 = vector.shape_cast %get3A_288 : vector<1x1x128x512xf32> to vector<128x512xf32>
    %gt3A_290 = arith.cmpf ogt, %get3A_289, %select_n3A_276 : vector<128x512xf32>
    %get3A_291 = arith.constant 0 : index
    %get3A_292 = arith.constant 9 : index
    %get3A_293 = arith.constant 0 : index
    %get3A_294 = arith.constant 0 : index
    %get3A_295 = vector.load %arg2[%get3A_291, %get3A_292, %get3A_293, %get3A_294] : memref<1x10x128x512xf32, #tpu.memory_space<vmem>>, vector<1x1x128x512xf32>
    %get3A_296 = vector.shape_cast %get3A_295 : vector<1x1x128x512xf32> to vector<128x512xf32>
    %select_n3A_297 = arith.select %gt3A_290, %get3A_296, %select_n3A_283 : vector<128x512xi1>, vector<128x512xf32>
    %sub3A_298 = arith.subf %add3A_153, %select_n3A_297 : vector<128x512xf32>
    %get3A_299 = arith.constant 0 : index
    %get3A_300 = arith.constant 0 : index
    %get3A_301 = arith.constant 0 : index
    %get3A_302 = arith.constant 0 : index
    %get3A_303 = vector.load %arg4[%get3A_299, %get3A_300, %get3A_301, %get3A_302] : memref<1x1x128x512xf32, #tpu.memory_space<vmem>>, vector<1x1x128x512xf32>
    %get3A_304 = vector.shape_cast %get3A_303 : vector<1x1x128x512xf32> to vector<128x512xf32>
    %gt3A_305 = arith.constant 5.000000e-01 : f32
    %gt3A_306 = vector.broadcast %gt3A_305 : f32 to vector<128x512xf32>
    %gt3A_307 = arith.cmpf ogt, %get3A_304, %gt3A_306 : vector<128x512xf32>
    %convert_element_type3A = arith.extui %gt3A_307 : vector<128x512xi1> to vector<128x512xi32>
    %convert_element_type3A_308 = arith.sitofp %convert_element_type3A : vector<128x512xi32> to vector<128x512xf32>
    %mul3A = arith.mulf %sub3A_298, %convert_element_type3A_308 : vector<128x512xf32>
    %reduce_sum3A = vector.shape_cast %mul3A : vector<128x512xf32> to vector<1x128x512xf32>
    %reduce_sum3A_309 = arith.constant dense<0.000000e+00> : vector<1xf32>
    %reduce_sum3A_310 = vector.multi_reduction <add>, %reduce_sum3A, %reduce_sum3A_309 [1, 2] : vector<1x128x512xf32> to vector<1xf32>
    %reduce_sum3A_311 = vector.shape_cast %reduce_sum3A_310 : vector<1xf32> to vector<1x1x1xf32>
    %reduce_sum3A_312 = vector.extract %reduce_sum3A_311[0, 0, 0] : f32 from vector<1x1x1xf32>
    %reduce_sum3A_313 = vector.shape_cast %convert_element_type3A_308 : vector<128x512xf32> to vector<1x128x512xf32>
    %reduce_sum3A_314 = arith.constant dense<0.000000e+00> : vector<1xf32>
    %reduce_sum3A_315 = vector.multi_reduction <add>, %reduce_sum3A_313, %reduce_sum3A_314 [1, 2] : vector<1x128x512xf32> to vector<1xf32>
    %reduce_sum3A_316 = vector.shape_cast %reduce_sum3A_315 : vector<1xf32> to vector<1x1x1xf32>
    %reduce_sum3A_317 = vector.extract %reduce_sum3A_316[0, 0, 0] : f32 from vector<1x1x1xf32>
    %get3A_318 = arith.constant 0 : index
    %get3A_319 = arith.constant 0 : index
    %get3A_320 = arith.constant 0 : index
    %get3A_321 = arith.constant 0 : index
    %get3A_322 = vector.load %arg6[%get3A_318, %get3A_319, %get3A_320, %get3A_321] : memref<1x2x128x512xf32, #tpu.memory_space<vmem>>, vector<1x1x128x512xf32>
    %get3A_323 = vector.shape_cast %get3A_322 : vector<1x1x128x512xf32> to vector<128x512xf32>
    %get3A_324 = arith.constant 0 : index
    %get3A_325 = arith.constant 1 : index
    %get3A_326 = arith.constant 0 : index
    %get3A_327 = arith.constant 0 : index
    %get3A_328 = vector.load %arg6[%get3A_324, %get3A_325, %get3A_326, %get3A_327] : memref<1x2x128x512xf32, #tpu.memory_space<vmem>>, vector<1x1x128x512xf32>
    %get3A_329 = vector.shape_cast %get3A_328 : vector<1x1x128x512xf32> to vector<128x512xf32>
    %mul3A_330 = arith.mulf %get3A_323, %get3A_323 : vector<128x512xf32>
    %mul3A_331 = arith.mulf %get3A_329, %get3A_329 : vector<128x512xf32>
    %add3A_332 = arith.addf %mul3A_330, %mul3A_331 : vector<128x512xf32>
    %sqrt3A = math.sqrt %add3A_332 : vector<128x512xf32>
    %max3A_333 = arith.constant 9.99999997E-7 : f32
    %max3A_334 = vector.broadcast %max3A_333 : f32 to vector<128x512xf32>
    %max3A_335 = arith.maximumf %sqrt3A, %max3A_334 : vector<128x512xf32>
    %div3A = arith.constant 1.000000e+00 : f32
    %div3A_336 = vector.broadcast %div3A : f32 to vector<128x512xf32>
    %div3A_337 = arith.divf %div3A_336, %max3A_335 : vector<128x512xf32>
    %mul3A_338 = arith.mulf %get3A_323, %div3A_337 : vector<128x512xf32>
    %mul3A_339 = arith.mulf %get3A_329, %div3A_337 : vector<128x512xf32>
    %mul3A_340 = arith.mulf %sqrt3A, %div3A_337 : vector<128x512xf32>
    %gt3A_341 = arith.constant 9.99999997E-7 : f32
    %gt3A_342 = vector.broadcast %gt3A_341 : f32 to vector<128x512xf32>
    %gt3A_343 = arith.cmpf ogt, %mul3A_340, %gt3A_342 : vector<128x512xf32>
    %convert_element_type3A_344 = arith.extui %gt3A_343 : vector<128x512xi1> to vector<128x512xi32>
    %convert_element_type3A_345 = arith.sitofp %convert_element_type3A_344 : vector<128x512xi32> to vector<128x512xf32>
    %get3A_346 = arith.constant 0 : index
    %get3A_347 = arith.constant 0 : index
    %get3A_348 = arith.constant 0 : index
    %get3A_349 = arith.constant 0 : index
    %get3A_350 = vector.load %arg3[%get3A_346, %get3A_347, %get3A_348, %get3A_349] : memref<1x2x128x512xf32, #tpu.memory_space<vmem>>, vector<1x1x128x512xf32>
    %get3A_351 = vector.shape_cast %get3A_350 : vector<1x1x128x512xf32> to vector<128x512xf32>
    %sub3A_352 = arith.subf %get3A_351, %mul3A_338 : vector<128x512xf32>
    %get3A_353 = arith.constant 0 : index
    %get3A_354 = arith.constant 1 : index
    %get3A_355 = arith.constant 0 : index
    %get3A_356 = arith.constant 0 : index
    %get3A_357 = vector.load %arg3[%get3A_353, %get3A_354, %get3A_355, %get3A_356] : memref<1x2x128x512xf32, #tpu.memory_space<vmem>>, vector<1x1x128x512xf32>
    %get3A_358 = vector.shape_cast %get3A_357 : vector<1x1x128x512xf32> to vector<128x512xf32>
    %sub3A_359 = arith.subf %get3A_358, %mul3A_339 : vector<128x512xf32>
    %mul3A_360 = arith.mulf %sub3A_352, %sub3A_352 : vector<128x512xf32>
    %mul3A_361 = arith.mulf %sub3A_359, %sub3A_359 : vector<128x512xf32>
    %add3A_362 = arith.addf %mul3A_360, %mul3A_361 : vector<128x512xf32>
    %mul3A_363 = arith.mulf %add3A_362, %convert_element_type3A_345 : vector<128x512xf32>
    %reduce_sum3A_364 = vector.shape_cast %mul3A_363 : vector<128x512xf32> to vector<1x128x512xf32>
    %reduce_sum3A_365 = arith.constant dense<0.000000e+00> : vector<1xf32>
    %reduce_sum3A_366 = vector.multi_reduction <add>, %reduce_sum3A_364, %reduce_sum3A_365 [1, 2] : vector<1x128x512xf32> to vector<1xf32>
    %reduce_sum3A_367 = vector.shape_cast %reduce_sum3A_366 : vector<1xf32> to vector<1x1x1xf32>
    %reduce_sum3A_368 = vector.extract %reduce_sum3A_367[0, 0, 0] : f32 from vector<1x1x1xf32>
    %reduce_sum3A_369 = vector.shape_cast %convert_element_type3A_345 : vector<128x512xf32> to vector<1x128x512xf32>
    %reduce_sum3A_370 = arith.constant dense<0.000000e+00> : vector<1xf32>
    %reduce_sum3A_371 = vector.multi_reduction <add>, %reduce_sum3A_369, %reduce_sum3A_370 [1, 2] : vector<1x128x512xf32> to vector<1xf32>
    %reduce_sum3A_372 = vector.shape_cast %reduce_sum3A_371 : vector<1xf32> to vector<1x1x1xf32>
    %reduce_sum3A_373 = vector.extract %reduce_sum3A_372[0, 0, 0] : f32 from vector<1x1x1xf32>
    %eq3A = arith.constant 0 : i32
    %eq3A_374 = arith.cmpi eq, %arg0, %eq3A : i32
    %eq3A_375 = arith.constant 0 : i32
    %eq3A_376 = arith.cmpi eq, %arg1, %eq3A_375 : i32
    %and3A = arith.andi %eq3A_374, %eq3A_376 : i1
    %convert_element_type3A_377 = arith.extui %and3A : i1 to i32
    %cond3A = arith.constant 0 : i32
    %cond3A_378 = arith.cmpi ne, %convert_element_type3A_377, %cond3A : i32
    scf.if %cond3A_378 {
      %swap3A = arith.constant 0 : index
      %swap3A_391 = memref.load %arg8[%swap3A] : memref<4xf32, #tpu.memory_space<smem>>
      memref.store %reduce_sum3A_312, %arg8[%swap3A] : memref<4xf32, #tpu.memory_space<smem>>
      %swap3A_392 = arith.constant 1 : index
      %swap3A_393 = memref.load %arg8[%swap3A_392] : memref<4xf32, #tpu.memory_space<smem>>
      memref.store %reduce_sum3A_317, %arg8[%swap3A_392] : memref<4xf32, #tpu.memory_space<smem>>
      %swap3A_394 = arith.constant 2 : index
      %swap3A_395 = memref.load %arg8[%swap3A_394] : memref<4xf32, #tpu.memory_space<smem>>
      memref.store %reduce_sum3A_368, %arg8[%swap3A_394] : memref<4xf32, #tpu.memory_space<smem>>
      %swap3A_396 = arith.constant 3 : index
      %swap3A_397 = memref.load %arg8[%swap3A_396] : memref<4xf32, #tpu.memory_space<smem>>
      memref.store %reduce_sum3A_373, %arg8[%swap3A_396] : memref<4xf32, #tpu.memory_space<smem>>
    } else {
    }
    %not3A = arith.constant true
    %not3A_379 = arith.xori %and3A, %not3A : i1
    %convert_element_type3A_380 = arith.extui %not3A_379 : i1 to i32
    %cond3A_381 = arith.constant 0 : i32
    %cond3A_382 = arith.cmpi ne, %convert_element_type3A_380, %cond3A_381 : i32
    scf.if %cond3A_382 {
      %get3A_391 = arith.constant 0 : index
      %get3A_392 = memref.load %arg8[%get3A_391] : memref<4xf32, #tpu.memory_space<smem>>
      %add3A_393 = arith.addf %get3A_392, %reduce_sum3A_312 : f32
      %swap3A = arith.constant 0 : index
      %swap3A_394 = memref.load %arg8[%swap3A] : memref<4xf32, #tpu.memory_space<smem>>
      memref.store %add3A_393, %arg8[%swap3A] : memref<4xf32, #tpu.memory_space<smem>>
      %get3A_395 = arith.constant 1 : index
      %get3A_396 = memref.load %arg8[%get3A_395] : memref<4xf32, #tpu.memory_space<smem>>
      %add3A_397 = arith.addf %get3A_396, %reduce_sum3A_317 : f32
      %swap3A_398 = arith.constant 1 : index
      %swap3A_399 = memref.load %arg8[%swap3A_398] : memref<4xf32, #tpu.memory_space<smem>>
      memref.store %add3A_397, %arg8[%swap3A_398] : memref<4xf32, #tpu.memory_space<smem>>
      %get3A_400 = arith.constant 2 : index
      %get3A_401 = memref.load %arg8[%get3A_400] : memref<4xf32, #tpu.memory_space<smem>>
      %add3A_402 = arith.addf %get3A_401, %reduce_sum3A_368 : f32
      %swap3A_403 = arith.constant 2 : index
      %swap3A_404 = memref.load %arg8[%swap3A_403] : memref<4xf32, #tpu.memory_space<smem>>
      memref.store %add3A_402, %arg8[%swap3A_403] : memref<4xf32, #tpu.memory_space<smem>>
      %get3A_405 = arith.constant 3 : index
      %get3A_406 = memref.load %arg8[%get3A_405] : memref<4xf32, #tpu.memory_space<smem>>
      %add3A_407 = arith.addf %get3A_406, %reduce_sum3A_373 : f32
      %swap3A_408 = arith.constant 3 : index
      %swap3A_409 = memref.load %arg8[%swap3A_408] : memref<4xf32, #tpu.memory_space<smem>>
      memref.store %add3A_407, %arg8[%swap3A_408] : memref<4xf32, #tpu.memory_space<smem>>
    } else {
    }
    %eq3A_383 = arith.constant 3 : i32
    %eq3A_384 = arith.cmpi eq, %arg0, %eq3A_383 : i32
    %eq3A_385 = arith.constant 3 : i32
    %eq3A_386 = arith.cmpi eq, %arg1, %eq3A_385 : i32
    %and3A_387 = arith.andi %eq3A_384, %eq3A_386 : i1
    %convert_element_type3A_388 = arith.extui %and3A_387 : i1 to i32
    %cond3A_389 = arith.constant 0 : i32
    %cond3A_390 = arith.cmpi ne, %convert_element_type3A_388, %cond3A_389 : i32
    scf.if %cond3A_390 {
      %get3A_391 = arith.constant 0 : index
      %get3A_392 = memref.load %arg8[%get3A_391] : memref<4xf32, #tpu.memory_space<smem>>
      %swap3A = arith.constant 0 : index
      %swap3A_393 = arith.constant 0 : index
      %swap3A_394 = memref.load %arg7[%swap3A, %swap3A_393] : memref<1x4xf32, #tpu.memory_space<smem>>
      memref.store %get3A_392, %arg7[%swap3A, %swap3A_393] : memref<1x4xf32, #tpu.memory_space<smem>>
      %get3A_395 = arith.constant 1 : index
      %get3A_396 = memref.load %arg8[%get3A_395] : memref<4xf32, #tpu.memory_space<smem>>
      %swap3A_397 = arith.constant 0 : index
      %swap3A_398 = arith.constant 1 : index
      %swap3A_399 = memref.load %arg7[%swap3A_397, %swap3A_398] : memref<1x4xf32, #tpu.memory_space<smem>>
      memref.store %get3A_396, %arg7[%swap3A_397, %swap3A_398] : memref<1x4xf32, #tpu.memory_space<smem>>
      %get3A_400 = arith.constant 2 : index
      %get3A_401 = memref.load %arg8[%get3A_400] : memref<4xf32, #tpu.memory_space<smem>>
      %swap3A_402 = arith.constant 0 : index
      %swap3A_403 = arith.constant 2 : index
      %swap3A_404 = memref.load %arg7[%swap3A_402, %swap3A_403] : memref<1x4xf32, #tpu.memory_space<smem>>
      memref.store %get3A_401, %arg7[%swap3A_402, %swap3A_403] : memref<1x4xf32, #tpu.memory_space<smem>>
      %get3A_405 = arith.constant 3 : index
      %get3A_406 = memref.load %arg8[%get3A_405] : memref<4xf32, #tpu.memory_space<smem>>
      %swap3A_407 = arith.constant 0 : index
      %swap3A_408 = arith.constant 3 : index
      %swap3A_409 = memref.load %arg7[%swap3A_407, %swap3A_408] : memref<1x4xf32, #tpu.memory_space<smem>>
      memref.store %get3A_406, %arg7[%swap3A_407, %swap3A_408] : memref<1x4xf32, #tpu.memory_space<smem>>
    } else {
    }
    return
  }
  func.func @transform_0(%arg0: i32, %arg1: i32) -> (i32, i32, i32, i32) {
    %c0_i32 = arith.constant 0 : i32
    %c0_i32_0 = arith.constant 0 : i32
    %c0_i32_1 = arith.constant 0 : i32
    return %arg0, %c0_i32, %arg1, %c0_i32_0 : i32, i32, i32, i32
  }
  func.func @transform_1(%arg0: i32, %arg1: i32) -> (i32, i32, i32, i32) {
    %c0_i32 = arith.constant 0 : i32
    %c0_i32_0 = arith.constant 0 : i32
    %c0_i32_1 = arith.constant 0 : i32
    return %arg0, %c0_i32, %arg1, %c0_i32_0 : i32, i32, i32, i32
  }
  func.func @transform_2(%arg0: i32, %arg1: i32) -> (i32, i32, i32, i32) {
    %c0_i32 = arith.constant 0 : i32
    %c0_i32_0 = arith.constant 0 : i32
    %c0_i32_1 = arith.constant 0 : i32
    return %arg0, %c0_i32, %arg1, %c0_i32_0 : i32, i32, i32, i32
  }
  func.func @transform_3(%arg0: i32, %arg1: i32) -> (i32, i32, i32, i32) {
    %c0_i32 = arith.constant 0 : i32
    %c0_i32_0 = arith.constant 0 : i32
    %c0_i32_1 = arith.constant 0 : i32
    return %arg0, %c0_i32, %arg1, %c0_i32_0 : i32, i32, i32, i32
  }
  func.func @transform_4(%arg0: i32, %arg1: i32) -> (i32, i32, i32, i32) {
    %c0_i32 = arith.constant 0 : i32
    %c0_i32_0 = arith.constant 0 : i32
    %c0_i32_1 = arith.constant 0 : i32
    return %arg0, %c0_i32, %arg1, %c0_i32_0 : i32, i32, i32, i32
  }
  func.func @transform_5(%arg0: i32, %arg1: i32) -> (i32, i32) {
    %c0_i32 = arith.constant 0 : i32
    %c0_i32_0 = arith.constant 0 : i32
    %c0_i32_1 = arith.constant 0 : i32
    return %c0_i32, %c0_i32_0 : i32, i32
  }
}

module attributes {stable_mosaic.version = 14 : i64} {
  func.func @_bce_body(%arg0: i32, %arg1: memref<1x1x512x512xf32, #tpu.memory_space<vmem>>, %arg2: memref<1x1x512x512xf32, #tpu.memory_space<vmem>>, %arg3: memref<1x512x512xf32, #tpu.memory_space<vmem>>) attributes {dimension_semantics = [#tpu.dimension_semantics<arbitrary>], iteration_bounds = array<i64: 4>, scalar_prefetch = 0 : i64, scratch_operands = 0 : i64, tpu.core_type = #tpu.core_type<tc>, window_params = [{transform_indices = @transform_0, window_bounds = array<i64: 1, 1, 512, 512>}, {transform_indices = @transform_1, window_bounds = array<i64: 1, 1, 512, 512>}, {transform_indices = @transform_2, window_bounds = array<i64: 1, 512, 512>}]} {
    %get3A = arith.constant 0 : index
    %get3A_0 = arith.constant 0 : index
    %get3A_1 = arith.constant 0 : index
    %get3A_2 = arith.constant 0 : index
    %get3A_3 = vector.load %arg1[%get3A, %get3A_0, %get3A_1, %get3A_2] : memref<1x1x512x512xf32, #tpu.memory_space<vmem>>, vector<1x1x512x512xf32>
    %get3A_4 = vector.shape_cast %get3A_3 : vector<1x1x512x512xf32> to vector<512x512xf32>
    %get3A_5 = arith.constant 0 : index
    %get3A_6 = arith.constant 0 : index
    %get3A_7 = arith.constant 0 : index
    %get3A_8 = arith.constant 0 : index
    %get3A_9 = vector.load %arg2[%get3A_5, %get3A_6, %get3A_7, %get3A_8] : memref<1x1x512x512xf32, #tpu.memory_space<vmem>>, vector<1x1x512x512xf32>
    %get3A_10 = vector.shape_cast %get3A_9 : vector<1x1x512x512xf32> to vector<512x512xf32>
    %max3A = arith.constant 0.000000e+00 : f32
    %max3A_11 = vector.broadcast %max3A : f32 to vector<512x512xf32>
    %max3A_12 = arith.maximumf %get3A_4, %max3A_11 : vector<512x512xf32>
    %mul3A = arith.mulf %get3A_4, %get3A_10 : vector<512x512xf32>
    %sub3A = arith.subf %max3A_12, %mul3A : vector<512x512xf32>
    %abs3A = math.absf %get3A_4 : vector<512x512xf32>
    %neg3A = arith.constant 0.000000e+00 : f32
    %neg3A_13 = vector.broadcast %neg3A : f32 to vector<512x512xf32>
    %neg3A_14 = arith.subf %neg3A_13, %abs3A : vector<512x512xf32>
    %exp3A = math.exp %neg3A_14 : vector<512x512xf32>
    %add3A = arith.constant 1.000000e+00 : f32
    %add3A_15 = vector.broadcast %add3A : f32 to vector<512x512xf32>
    %add3A_16 = arith.addf %add3A_15, %exp3A : vector<512x512xf32>
    %log3A = math.log %add3A_16 : vector<512x512xf32>
    %add3A_17 = arith.addf %sub3A, %log3A : vector<512x512xf32>
    %swap3A = arith.constant 0 : index
    %swap3A_18 = arith.constant 0 : index
    %swap3A_19 = arith.constant 0 : index
    %swap3A_20 = vector.load %arg3[%swap3A, %swap3A_18, %swap3A_19] : memref<1x512x512xf32, #tpu.memory_space<vmem>>, vector<1x512x512xf32>
    %swap3A_21 = vector.shape_cast %swap3A_20 : vector<1x512x512xf32> to vector<512x512xf32>
    %swap3A_22 = vector.shape_cast %add3A_17 : vector<512x512xf32> to vector<1x512x512xf32>
    tpu.vector_store %arg3[%swap3A, %swap3A_18, %swap3A_19], %swap3A_22 {strides = array<i32>} : memref<1x512x512xf32, #tpu.memory_space<vmem>>, vector<1x512x512xf32>,
    return
  }
  func.func @transform_0(%arg0: i32) -> (i32, i32, i32, i32) {
    %c0_i32 = arith.constant 0 : i32
    %c0_i32_0 = arith.constant 0 : i32
    %c0_i32_1 = arith.constant 0 : i32
    %c0_i32_2 = arith.constant 0 : i32
    return %arg0, %c0_i32, %c0_i32_0, %c0_i32_1 : i32, i32, i32, i32
  }
  func.func @transform_1(%arg0: i32) -> (i32, i32, i32, i32) {
    %c0_i32 = arith.constant 0 : i32
    %c0_i32_0 = arith.constant 0 : i32
    %c0_i32_1 = arith.constant 0 : i32
    %c0_i32_2 = arith.constant 0 : i32
    return %arg0, %c0_i32, %c0_i32_0, %c0_i32_1 : i32, i32, i32, i32
  }
  func.func @transform_2(%arg0: i32) -> (i32, i32, i32) {
    %c0_i32 = arith.constant 0 : i32
    %c0_i32_0 = arith.constant 0 : i32
    %c0_i32_1 = arith.constant 0 : i32
    return %arg0, %c0_i32, %c0_i32_0 : i32, i32, i32
  }
}

</mosaic_0001>

<sc_bundles>
// kernel: kernel.6.cloned.1.call-start
scs
__scs_entry_jumppad:
0x0: {  	(pc) =	sbr.rel $0x88, $3  }
0x1: {  	(tag) =	ssettag $0x0;
	lr =	simm.s32 $0x1  }
0x2: {  	[smem:$0x3F9B] =	sst lr;
	_ =	strace $0xD0000000  }
0x3: {  	_ = 	snop  }
0x4: {  	_ = 	snop  }
0x5: {  	_ = 	snop  }
0x6: {  	_ = 	snop  }
0x7: {  	_ = 	snop  }
__scs_overlays_trampoline_lowered:
0x8: {  	[smem:$0x3FAA] =	sst s0  }
0x9: {  	[smem:$0x3FAB] =	sst s1  }
0xa: {  	[smem:$0x3FAC] =	sst s2  }
0xb: {  	[smem:$0x3FAD] =	sst s3  }
0xc: {  	[smem:$0x3FAE] =	sst s4  }
0xd: {  	[smem:$0x3FAF] =	sst s5  }
0xe: {  	[smem:$0x3FB0] =	sst s6  }
0xf: {  	[smem:$0x3FB1] =	sst s7  }
0x10: {  	[smem:$0x3FB2] =	sst s8  }
0x11: {  	[smem:$0x3FB3] =	sst s9;
	s0 =	simm.s32 @!p0 $0x0  }
0x12: {  	s1 =	sld [smem:$0x3F99];
	s0 =	simm.s32 @p0 $0x1  }
0x13: {  	[smem:$0x3FB4] =	sst s0;
	s0 =	simm.s32 @!p1 $0x0  }
0x14: {  	s2 =	sld [smem:$0x3F98];
	s0 =	simm.s32 @p1 $0x1  }
0x15: {  	[smem:$0x3FB5] =	sst s0;
	s0 =	simm.s32 @!p2 $0x0  }
0x16: {  	s3 =	sld [smem:$0x3FDB];
	s0 =	simm.s32 @p2 $0x1  }
0x17: {  	s4 =	simm.s32 $0x1BF5;
	[smem:$0x3FB7] =	sst s0  }
0x18: {  	s0 =	sld [smem:$0x3F9A];
	_ =	swait.ge [sflag:s4], $0x0  }
0x19: {  	s7 =	sld [smem:$0x3F9B]  }
0x1a: {  	s8 =	sadd.s32 $0xFFFFE003, lr  }
0x1b: {  	s9 =	sadd.s32 $0xFFFFFEF7, lr;
	s5 =	simm.s32 $0xFFFFFFFF;
	p2 =	slt.u32 s8, $0xFFFFF086  }
0x1c: {  	p1 =	slt.u32 s9, $0xF7A;
	s5 =	simm.s32 @!p2 $0x0  }
0x1d: {  	s5 =	simm.s32 @p1 $0x1;
	p0 =	seq.s32 s7, s2  }
0x1e: {  	s7 =	smul.u32 @!p0 $0xF7A, s2;
	p2 =	seq.s32 @!p0 s5, $0x0  }
0x1f: {  	s9 =	smul.u32 $0xF7A, s1;
	s8 =	simm.s32 @!p0 $0x1BF5;
	p2 =	por !p2, p0  }
0x20: {  	[sflag:s8] =	ssyncset.s32 @!p0 $0xFFFFF086;
	s6 =	sadd.s32 @!p0 s3, s7;
	s7 =	simm.s32 @!p0 $0x108  }
0x21: {  	s3 =	sadd.s32 s3, s9;
	s6 =	sadd.s32 @!p0 $0x88, s6;
	s7 =	simm.s32 @p2 $0x1082  }
0x22: {  	[simem:s7], [sflag:s8] =	dma.local @!p0 [hbm:s6], $0xF7A  }
0x23: {  	s9 =	sor.u32 $0xD0000000, s2;
	s6 =	simm.s32 $0x108;
	_ =	swait.ge @!p0 [sflag:s8], $0x0  }
0x24: {  	s3 =	sadd.s32 $0x88, s3;
	s6 =	simm.s32 @!p1 $0x1082;
	[sflag:s4] =	ssyncset.s32 $0xFFFFF086  }
0x25: {  	[simem:s6], [sflag:s4] =	dma.local [hbm:s3], $0xF7A  }
0x26: {  	[smem:$0x3F9B] =	sst s1;
	(tag) =	ssettag s2;
	_ =	strace s9  }
0x27: {  	s1 =	sld [smem:$0x3FAB]  }
0x28: {  	s2 =	sld [smem:$0x3FAC]  }
0x29: {  	s4 =	sld [smem:$0x3FAE]  }
0x2a: {  	p0 =	seq.s32 s5, $0x0;
	s5 =	sld [smem:$0x3FAF]  }
0x2b: {  	s6 =	sld [smem:$0x3FB0]  }
0x2c: {  	s7 =	sld [smem:$0x3FB1]  }
0x2d: {  	s3 =	simm.s32 $0x108;
	s8 =	sld [smem:$0x3FB2]  }
0x2e: {  	s3 =	simm.s32 @!p0 $0x1082;
	s9 =	sld [smem:$0x3FB3]  }
0x2f: {  	lr =	sadd.s32 s0, s3;
	s0 =	sld [smem:$0x3FAA]  }
0x30: {  	s3 =	sld [smem:$0x3FAD]  }
0x31: {  	[smem:$0x3FB6] =	sst s10  }
0x32: {  	s10 =	sld [smem:$0x3FB4];
	_ =	sdelay $0x3  }
0x33: {  	p0 =	seq.s32 s10, $0x1;
	s10 =	sld [smem:$0x3FB6];
	_ =	sdelay $0x3  }
0x34: {  	[smem:$0x3FB6] =	sst s10  }
0x35: {  	s10 =	sld [smem:$0x3FB5];
	_ =	sdelay $0x3  }
0x36: {  	p1 =	seq.s32 s10, $0x1;
	s10 =	sld [smem:$0x3FB6];
	_ =	sdelay $0x3  }
0x37: {  	[smem:$0x3FB6] =	sst s10  }
0x38: {  	s10 =	sld [smem:$0x3FB7]  }
0x39: {  	_ = 	snop;
	(pc) =	sbr.ind lr, $3  }
0x3a: {  	_ = 	snop  }
0x3b: {  	_ = 	snop  }
0x3c: {  	p2 =	seq.s32 s10, $0x1;
	s10 =	sld [smem:$0x3FB6]  }
0x3d: {  	_ =	shalt  }
0x3e: {  	_ =	shalt  }
0x3f: {  	_ =	shalt  }
0x40: {  	_ =	shalt  }
0x41: {  	_ =	shalt  }
0x42: {  	_ =	shalt  }
0x43: {  	_ =	shalt  }
0x44: {  	_ =	shalt  }
0x45: {  	_ =	shalt  }
0x46: {  	_ =	shalt  }
0x47: {  	_ =	shalt  }
0x48: {  	_ =	shalt  }
0x49: {  	_ =	shalt  }
0x4a: {  	_ =	shalt  }
0x4b: {  	_ =	shalt  }
0x4c: {  	_ =	shalt  }
0x4d: {  	_ =	shalt  }
0x4e: {  	_ =	shalt  }
0x4f: {  	_ =	shalt  }
0x50: {  	_ =	shalt  }
0x51: {  	_ =	shalt  }
0x52: {  	_ =	shalt  }
0x53: {  	_ =	shalt  }
0x54: {  	_ =	shalt  }
0x55: {  	_ =	shalt  }
0x56: {  	_ =	shalt  }
0x57: {  	_ =	shalt  }
0x58: {  	_ =	shalt  }
0x59: {  	_ =	shalt  }
0x5a: {  	_ =	shalt  }
0x5b: {  	_ =	shalt  }
0x5c: {  	_ =	shalt  }
0x5d: {  	_ =	shalt  }
0x5e: {  	_ =	shalt  }
0x5f: {  	_ =	shalt  }
0x60: {  	_ =	shalt  }
0x61: {  	_ =	shalt  }
0x62: {  	_ =	shalt  }
0x63: {  	_ =	shalt  }
0x64: {  	_ =	shalt  }
0x65: {  	_ =	shalt  }
0x66: {  	_ =	shalt  }
0x67: {  	_ =	shalt  }
0x68: {  	_ =	shalt  }
0x69: {  	_ =	shalt  }
0x6a: {  	_ =	shalt  }
0x6b: {  	_ =	shalt  }
0x6c: {  	_ =	shalt  }
0x6d: {  	_ =	shalt  }
0x6e: {  	_ =	shalt  }
0x6f: {  	_ =	shalt  }
0x70: {  	_ =	shalt  }
0x71: {  	_ =	shalt  }
0x72: {  	_ =	shalt  }
0x73: {  	_ =	shalt  }
0x74: {  	_ =	shalt  }
0x75: {  	_ =	shalt  }
0x76: {  	_ =	shalt  }
0x77: {  	_ =	shalt  }
0x78: {  	_ =	shalt  }
0x79: {  	_ =	shalt  }
0x7a: {  	_ =	shalt  }
0x7b: {  	_ =	shalt  }
0x7c: {  	_ =	shalt  }
0x7d: {  	_ =	shalt  }
0x7e: {  	_ =	shalt  }
0x7f: {  	_ =	shalt  }
0x80: {  	_ =	shalt  }
0x81: {  	_ =	shalt  }
0x82: {  	_ =	shalt  }
0x83: {  	_ =	shalt  }
0x84: {  	_ =	shalt  }
0x85: {  	_ =	shalt  }
0x86: {  	_ =	shalt  }
0x87: {  	_ =	shalt  }
.Lfunc_end0:
.L_simem_size_0:
called_computation_lowered:
.L_overlay_start_0:
0x88: {  	s2 =	sld [smem:$0x3FD9]  }
0x89: {  	s3 =	sld [smem:$0x3FFE];
	_ =	sdelay $0x1  }
0x8a: {  	s1 =	srdreg.scid  }
0x8b: {  	s0 =	sand.u32 $0x1, s1  }
0x8c: {  	s17 =	sshll.u32 s0, $0xA;
	s2 =	sadd.s32 s3, s2  }
0x8d: {  	s2 =	sadd.s32 s2, s17  }
0x8e: {  	[smem:$0x3FC2] =	sst s2  }
0x8f: {  	_ = 	snop  }
0x90: {  	s2 =	sld [smem:$0x3FD0];
	(tm) =	ssettm $0x1  }
0x91: {  	s18 =	sld [smem:$0x3FFB];
	_ =	sdelay $0x3  }
0x92: {  	_ =	strace s18  }
0x93: {  	s3 =	sld [smem:$0x3FFC];
	_ =	sdelay $0x3  }
0x94: {  	_ =	strace s3  }
0x95: {  	s3 =	sld [smem:$0x3FFD];
	_ =	sdelay $0x3  }
0x96: {  	_ =	strace s3  }
0x97: {  	_ =	strace $0x8FFFFFFF  }
0x98: {  	s19 =	sld [smem:$0x3FDB];
	_ =	sdelay $0x1  }
0x99: {  	s4 =	simm.s32 $_scs_section_size  }
0x9a: {  	s5 =	simm.s32 $_size__tile_overlayer_lowered;
	s6 =	simm.s32 $_tile_overlayer_lowered  }
0x9b: {  	s22 =	simm.s32 $0x1BFF;
	s21 =	sshll.u32 s6, $0x1;
	s3 =	sadd.s32 s4, s19  }
0x9c: {  	s7 =	simm.s32 $0x0;
	s20 =	sshll.u32 s5, $0x1;
	s5 =	sadd.s32 s21, s3  }
0x9d: {  	[timem:s7], [sflag:s22] =	dma.local [hbm:s5], s20  }
0x9e: {  	_ =	swait.ge [sflag:s22], s20  }
0x9f: {  	s4 =	ssub.s32 $0x0, s20;
	[sflag:s22] =	ssyncset.done $0x0  }
0xa0: {  	[sflag:s22] =	ssyncadd.s32 s4;
	_ =	sdelay $0x1  }
0xa1: {  	s23 =	simm.s32 $0x1B8B  }
0xa2: {  	_ =	swait.ge [sflag:s23], $0x1  }
0xa3: {  	[sflag:s23] =	ssyncset.done $0x0  }
0xa4: {  	s25 =	simm.s32 $0x1B8E;
	s24 =	sld [smem:$0x3FFE];
	[sflag:s23] =	ssyncadd.s32 $0xFFFFFFFF  }
0xa5: {  	s26 =	simm.s32 $execute0_lowered;
	[smem:$0x3FD2] =	sst s25  }
0xa6: {  	s5 =	sshll.u32 s26, $0x1;
	_ =	strace $0x80000046;
	[dreg:$0x1] =	wrdreg $0xFFFFFFFF  }
0xa7: {  	s28 =	simm.s32 $_size_execute0_lowered;
	s3 =	sadd.s32 s3, s5;
	[dreg:$0x0] =	wrdreg $0x0  }
0xa8: {  	s5 =	sshll.u32 s28, $0x1;
	[dreg:$0x2] =	wrdreg s3  }
0xa9: {  	[dreg:$0x3] =	wrdreg s5  }
0xaa: {  	[dreg:$0x4] =	wrdreg $0xC0  }
0xab: {  	_ =	task [dreg:s7], $0x5FFFF  }
0xac: {  	[dreg:$0x1] =	wrdreg $0xFFFFFFFF  }
0xad: {  	[dreg:$0x0] =	wrdreg $0x60  }
0xae: {  	[dreg:$0x2] =	wrdreg s24  }
0xaf: {  	[dreg:$0x3] =	wrdreg s2  }
0xb0: {  	[dreg:$0x4] =	wrdreg $0xC8800  }
0xb1: {  	[dreg:$0x5] =	wrdreg $0x9  }
0xb2: {  	_ =	task.clear_ibuf [dreg:s7], $0x6FFFF;
	_ =	strace $0x90000046  }
0xb3: {  	s29 =	simm.s32 $0x9;
	_ =	strace $0x80000048  }
0xb4: {  	_ =	swait.ge [sflag:s29], $0x1  }
0xb5: {  	[sflag:s29] =	ssyncadd.s32 $0xFFFFFFFF  }
0xb6: {  	_ =	strace $0x90000048  }
0xb7: {  	_ =	sfence  }
0xb8: {  	s30 =	sld [smem:$0x0];
	_ =	sdelay $0x2  }
0xb9: {  	s31 =	sshll.u32 s1, $0xD;
	s1 =	sshrl.u32 s1, $0x2  }
0xba: {  	s3 =	sand.u32 $0x4000, s31;
	s1 =	sadd.s32 s1, s30  }
0xbb: {  	s0 =	sor.u32 s3, s0;
	s1 =	sshll.u32 s1, $0x11  }
0xbc: {  	s0 =	sor.u32 s1, s0  }
0xbd: {  	s0 =	sadd.s32 $0x8F2B, s0  }
0xbe: {  	[sflag:s0] =	ssyncadd.remote.s32 $0x1  }
0xbf: {  	_ =	sfence.sel $0xFFFF  }
0xc0: {  	[dreg:$0x0] =	wrdreg $0xFFFFFFFF;
	(pc) =	sbr.abs _section_cstart, $3  }
0xc1: {  	[dreg:$0x1] =	wrdreg $0xFFFFFFFF  }
0xc2: {  	_ =	task.clear_ibuf [dreg:s7], $0x2FFFF;
	_ =	strace $0x9FFFFFFF  }
0xc3: {  	(tm) =	ssettm $0x7FFFFFFF  }
tec
execute0_lowered:
.L_overlay_start_1:
0x0: {  	(tag) =	ssettag $0x1  }
0x1: {  	s3 =	rddreg [dreg:$0x0]  }
0x2: {  	s6 =	rddreg [dreg:$0x1]  }
0x3: {  	s1 =	rddreg [dreg:$0x2]  }
0x4: {  	s0 =	rddreg [dreg:$0x3];
	s4 =	srdreg.scid;
	s2 =	simm.s32 $0x0  }
0x5: {  	s13 =	stileid.u32;
	s10 =	simm.s32 $0x1;
	s11 =	simm.s32 $0x4000  }
0x6: {  	s12 =	simm.s32 $0x8000;
	s14 =	simm.s32 $0x0;
	s4 =	sand.u32 $0x1, s4  }
0x7: {  	s5 =	sshll.u32 s13, $0xD;
	[smem:$0x7FF] =	sst s2;
	s31 =	sshll.u32 s13, $0xA  }
0x8: {  	p0 =	sne.s32 s13, $0x0;
	s13 =	simm.s32 $0xC800;
	s7 =	sshll.u32 s4, $0x5  }
.Ltmp0:
0x9: {  	s8 =	ssub.s32 $0x2, s4;
	_ =	strace $0x80000047;
	(pc) =	sbr.rel .LBB2_1-.Ltmp0, $4  }
0xa: {  	v0 =	vlaneseq.u32;
	s9 =	sshll.u32 s4, $0x3;
	s5 =	sor.u32 s7, s5;
	s30 =	sshrl.u32 s8, $0x1  }
0xb: {  	v3 =	vmul.u32 $0xFFFFFFFF, v0;
	s6 =	sadd.s32 s6, s9;
	s9 =	simm.s32 $0x200;
	s5 =	sadd.s32 s5, s3  }
0xc: {  	s7 =	ssub.s32 s8, s30;
	s8 =	simm.s32 $0x80;
	s3 =	sadd.s32 $0x1C00, s5  }
0xd: {  	v1 =	vimm.f32 $0.0e+00;
	v2 =	vimm.f32 $1.000000000e+00;
	v3 =	vadd.s32 $0xF, v3;
	s4 =	sadd.s32 $0x1C10, s5;
	s5 =	sadd.s32 s31, s1;
	s7 =	smax.u32 s7, $0x1  }
.LBB2_17:
0xe: {  	s14 =	sadd.s32 $0x1, s14  }
0xf: {  	p1 =	sne.s32 s14, s7  }
.Ltmp1:
0x10: {  	_ = 	snop;
	(pc) =	sbr.rel @!p1 .LBB2_18-.Ltmp1, $1  }
0x11: {  	_ =	sdelay $0x3  }
.LBB2_1:
0x12: {  	[tilespmem:s2], [sflag:$0x1] =	stream.strided.gather [hbm4b:s3+s8], $0x4000, s9, s8, $0x38;
	[tilespmem:$0xCC80] =	vst v63  }
0x13: {  	_ =	swait.ge [sflag:s10], $0x4000  }
0x14: {  	[sflag:s10] =	ssyncset.done $0x0  }
0x15: {  	[sflag:s10] =	ssyncadd.s32 $0xFFFFC000  }
0x16: {  	[tilespmem:s11], [sflag:$0x1] =	stream.strided.gather [hbm4b:s4+s8], $0x4000, s9, s8, $0x38;
	[tilespmem:$0xCC80] =	vst v63  }
0x17: {  	_ =	swait.ge [sflag:s10], $0x4000  }
0x18: {  	[sflag:s10] =	ssyncset.done $0x0  }
0x19: {  	s15 =	simm.s32 $0x0;
	[sflag:s10] =	ssyncadd.s32 $0xFFFFC000  }
.LBB2_2:
0x1a: {  	p1 =	sne.s32 s15, $0xFC0  }
.Ltmp2:
0x1b: {  	_ = 	snop;
	(pc) =	sbr.rel @p1 .LBB2_2-.Ltmp2, $3  }
0x1c: {  	_ =	sdelay $0x1  }
0x1d: {  	s16 =	sshra.s32 s15, $0x2  }
0x1e: {  	s15 =	sadd.s32 $0x40, s15;
	[tilespmem:s16+$0x8000] =	vst v1  }
0x1f: {  	s15 =	simm.s32 $0x0;
	s16 =	simm.s32 $0x0  }
.LBB2_4:
0x20: {  	s17 =	sshra.s32 s16, $0x2  }
0x21: {  	v4 =	vld [tilespmem:s17+$0x0];
	_ =	sdelay $0x4  }
0x22: {  	v4 =	vshrl.u32 v4, $0x16;
	_ =	sdelay $0x4  }
0x23: {  	s18 =	sand.u32 $0x3FC0, s15;
	[tilespmem:v4+s12+$0x0] =	vst.idx.add.f32.msk $0xffff, v2  }
0x24: {  	v4 =	vld [tilespmem:s18+$0x4000];
	_ =	sdelay $0x4  }
0x25: {  	v4 =	vshrl.u32 v4, $0x16  }
0x26: {  	v5 =	vadd.s32 $0x200, v4  }
0x27: {  	v4 =	vand.u32 $0x7F, v4;
	v5 =	vand.u32 $0x780, v5  }
0x28: {  	v4 =	vor.u32 v4, v5;
	_ =	sdelay $0x4  }
0x29: {  	[tilespmem:v4+s12+$0x0] =	vst.idx.add.f32.msk $0xffff, v2  }
0x2a: {  	v4 =	vld [tilespmem:s17+$0x10];
	_ =	sdelay $0x4  }
0x2b: {  	v4 =	vshrl.u32 v4, $0x16;
	_ =	sdelay $0x4  }
0x2c: {  	[tilespmem:v4+s12+$0x0] =	vst.idx.add.f32.msk $0xffff, v2  }
0x2d: {  	v4 =	vld [tilespmem:s17+$0x4010];
	_ =	sdelay $0x4  }
0x2e: {  	v4 =	vshrl.u32 v4, $0x16  }
0x2f: {  	v5 =	vadd.s32 $0x200, v4  }
0x30: {  	v4 =	vand.u32 $0x7F, v4;
	v5 =	vand.u32 $0x780, v5  }
0x31: {  	v4 =	vor.u32 v4, v5;
	_ =	sdelay $0x4  }
0x32: {  	[tilespmem:v4+s12+$0x0] =	vst.idx.add.f32.msk $0xffff, v2  }
0x33: {  	v4 =	vld [tilespmem:s17+$0x20];
	_ =	sdelay $0x4  }
0x34: {  	v4 =	vshrl.u32 v4, $0x16;
	_ =	sdelay $0x4  }
0x35: {  	[tilespmem:v4+s12+$0x0] =	vst.idx.add.f32.msk $0xffff, v2  }
0x36: {  	v4 =	vld [tilespmem:s17+$0x4020];
	_ =	sdelay $0x4  }
0x37: {  	v4 =	vshrl.u32 v4, $0x16  }
0x38: {  	v5 =	vadd.s32 $0x200, v4  }
0x39: {  	v4 =	vand.u32 $0x7F, v4;
	v5 =	vand.u32 $0x780, v5  }
0x3a: {  	v4 =	vor.u32 v4, v5;
	_ =	sdelay $0x4  }
0x3b: {  	[tilespmem:v4+s12+$0x0] =	vst.idx.add.f32.msk $0xffff, v2  }
0x3c: {  	v4 =	vld [tilespmem:s17+$0x30];
	_ =	sdelay $0x4  }
0x3d: {  	v4 =	vshrl.u32 v4, $0x16;
	_ =	sdelay $0x4  }
0x3e: {  	[tilespmem:v4+s12+$0x0] =	vst.idx.add.f32.msk $0xffff, v2  }
0x3f: {  	v4 =	vld [tilespmem:s17+$0x4030];
	_ =	sdelay $0x4  }
0x40: {  	v4 =	vshrl.u32 v4, $0x16  }
0x41: {  	v5 =	vadd.s32 $0x200, v4  }
0x42: {  	v4 =	vand.u32 $0x7F, v4;
	v5 =	vand.u32 $0x780, v5  }
0x43: {  	p1 =	sne.s32 s16, $0xFF00;
	v4 =	vor.u32 v4, v5  }
.Ltmp3:
0x44: {  	_ = 	snop;
	(pc) =	sbr.rel @p1 .LBB2_4-.Ltmp3, $2  }
0x45: {  	_ =	sdelay $0x2  }
0x46: {  	s15 =	sadd.s32 $0x40, s15;
	s16 =	sadd.s32 $0x100, s16;
	[tilespmem:v4+s12+$0x0] =	vst.idx.add.f32.msk $0xffff, v2  }
0x47: {  	[spmem:s5] =	stream.linear.scatter [tilespmem:s12], [sflag:$0x1], $0x400, $0x38;
	[tilespmem:$0xCC80] =	vst v63  }
.Ltmp4:
0x48: {  	_ =	swait.ge [sflag:s10], $0x400;
	(pc) =	sbr.rel @p0 .LBB2_17-.Ltmp4, $3  }
0x49: {  	[sflag:s10] =	ssyncset.done $0x0  }
0x4a: {  	[sflag:s10] =	ssyncadd.s32 $0xFFFFFC00  }
0x4b: {  	[bflag:$0x0] =	sbarrier.arrive $0xFFFF;
	_ =	sdelay $0x1  }
0x4c: {  	s15 =	simm.s32 $0x8400  }
0x4d: {  	[tilespmem:s15], [sflag:$0x1] =	stream.linear.gather [spmem:s1], $0x4000, $0x38;
	[tilespmem:$0xCC80] =	vst v63  }
0x4e: {  	_ =	swait.ge [sflag:s10], $0x4000  }
0x4f: {  	s16 =	simm.s32 $0x0;
	[sflag:s10] =	ssyncset.done $0x0  }
0x50: {  	s16 =	sand.u32 $0x3F0, s16;
	[sflag:s10] =	ssyncadd.s32 $0xFFFFC000  }
0x51: {  	v4 =	vld [tilespmem:s16+$0x8800]  }
0x52: {  	v5 =	vld [tilespmem:s15+$0x0];
	_ =	sdelay $0x1  }
0x53: {  	v6 =	vld [tilespmem:s16+$0x8C00];
	_ =	sdelay $0x1  }
0x54: {  	v7 =	vld [tilespmem:s16+$0x9000]  }
0x55: {  	v4 =	vadd.f32 v4, v5  }
0x56: {  	v5 =	vld [tilespmem:s16+$0x9400]  }
0x57: {  	v4 =	vadd.f32 v6, v4  }
0x58: {  	v6 =	vld [tilespmem:s16+$0x9800]  }
0x59: {  	v4 =	vadd.f32 v7, v4  }
0x5a: {  	v7 =	vld [tilespmem:s16+$0x9C00]  }
0x5b: {  	v4 =	vadd.f32 v5, v4  }
0x5c: {  	v5 =	vld [tilespmem:s16+$0xA000]  }
0x5d: {  	v4 =	vadd.f32 v6, v4  }
0x5e: {  	v6 =	vld [tilespmem:s16+$0xA400]  }
0x5f: {  	v4 =	vadd.f32 v7, v4  }
0x60: {  	v7 =	vld [tilespmem:s16+$0xA800]  }
0x61: {  	v4 =	vadd.f32 v5, v4  }
0x62: {  	v5 =	vld [tilespmem:s16+$0xAC00]  }
0x63: {  	v4 =	vadd.f32 v6, v4  }
0x64: {  	v6 =	vld [tilespmem:s16+$0xB000]  }
0x65: {  	v4 =	vadd.f32 v7, v4  }
0x66: {  	v7 =	vld [tilespmem:s16+$0xB400]  }
0x67: {  	v4 =	vadd.f32 v5, v4  }
0x68: {  	v5 =	vld [tilespmem:s16+$0xB800]  }
0x69: {  	v4 =	vadd.f32 v6, v4  }
0x6a: {  	v6 =	vld [tilespmem:s16+$0xBC00]  }
0x6b: {  	v4 =	vadd.f32 v7, v4  }
0x6c: {  	v7 =	vld [tilespmem:s16+$0xC000]  }
0x6d: {  	v4 =	vadd.f32 v5, v4;
	_ =	sdelay $0x1  }
0x6e: {  	v4 =	vadd.f32 v6, v4;
	_ =	sdelay $0x1  }
0x6f: {  	v4 =	vadd.f32 v7, v4  }
0x70: {  	s31 =	simm.s32 $0x10;
	s15 =	simm.s32 $0xC400  }
0x71: {  	s16 =	sand.u32 $0x3F0, s31;
	[tilespmem:s15+$0x0] =	vst v4  }
0x72: {  	s18 =	simm.s32 $0x20;
	s17 =	simm.s32 $0x8410;
	v4 =	vld [tilespmem:s16+$0x8800]  }
.LBB2_7:
0x73: {  	p1 =	sne.s32 s18, $0x3F0;
	v5 =	vld [tilespmem:s17+$0x0];
	_ =	sdelay $0x1  }
0x74: {  	v6 =	vld [tilespmem:s16+$0x8C00];
	_ =	sdelay $0x1  }
0x75: {  	v7 =	vld [tilespmem:s16+$0x9000]  }
0x76: {  	v4 =	vadd.f32 v4, v5  }
0x77: {  	v5 =	vld [tilespmem:s16+$0x9400]  }
0x78: {  	v4 =	vadd.f32 v6, v4  }
0x79: {  	v6 =	vld [tilespmem:s16+$0x9800]  }
0x7a: {  	v4 =	vadd.f32 v7, v4  }
0x7b: {  	v7 =	vld [tilespmem:s16+$0x9C00]  }
0x7c: {  	v4 =	vadd.f32 v5, v4  }
0x7d: {  	v5 =	vld [tilespmem:s16+$0xA000]  }
0x7e: {  	v4 =	vadd.f32 v6, v4  }
0x7f: {  	v6 =	vld [tilespmem:s16+$0xA400]  }
0x80: {  	v4 =	vadd.f32 v7, v4  }
0x81: {  	v7 =	vld [tilespmem:s16+$0xA800]  }
0x82: {  	v4 =	vadd.f32 v5, v4  }
0x83: {  	v5 =	vld [tilespmem:s16+$0xAC00]  }
0x84: {  	v4 =	vadd.f32 v6, v4  }
0x85: {  	v6 =	vld [tilespmem:s16+$0xB000]  }
0x86: {  	v4 =	vadd.f32 v7, v4  }
0x87: {  	v7 =	vld [tilespmem:s16+$0xB400]  }
0x88: {  	v4 =	vadd.f32 v5, v4  }
0x89: {  	v5 =	vld [tilespmem:s16+$0xB800]  }
0x8a: {  	v4 =	vadd.f32 v6, v4  }
0x8b: {  	v6 =	vld [tilespmem:s16+$0xBC00]  }
0x8c: {  	v4 =	vadd.f32 v7, v4  }
0x8d: {  	v7 =	vld [tilespmem:s16+$0xC000]  }
0x8e: {  	v4 =	vadd.f32 v5, v4;
	_ =	sdelay $0x1  }
0x8f: {  	v4 =	vadd.f32 v6, v4  }
.Ltmp5:
0x90: {  	(pc) =	sbr.rel @p1 .LBB2_7-.Ltmp5, $4  }
0x91: {  	v4 =	vadd.f32 v7, v4  }
0x92: {  	s15 =	sadd.s32 $0x10, s15  }
0x93: {  	s16 =	sand.u32 $0x3F0, s18;
	[tilespmem:s15+$0x0] =	vst v4  }
0x94: {  	s17 =	sadd.s32 $0x10, s17;
	s18 =	sadd.s32 $0x10, s18;
	v4 =	vld [tilespmem:s16+$0x8800]  }
0x95: {  	v5 =	vld [tilespmem:s17+$0x0];
	_ =	sdelay $0x1  }
0x96: {  	v6 =	vld [tilespmem:s16+$0x8C00];
	_ =	sdelay $0x1  }
0x97: {  	v7 =	vld [tilespmem:s16+$0x9000]  }
0x98: {  	v4 =	vadd.f32 v4, v5  }
0x99: {  	v5 =	vld [tilespmem:s16+$0x9400]  }
0x9a: {  	v4 =	vadd.f32 v6, v4  }
0x9b: {  	v6 =	vld [tilespmem:s16+$0x9800]  }
0x9c: {  	v4 =	vadd.f32 v7, v4  }
0x9d: {  	v7 =	vld [tilespmem:s16+$0x9C00]  }
0x9e: {  	v4 =	vadd.f32 v5, v4  }
0x9f: {  	v5 =	vld [tilespmem:s16+$0xA000]  }
0xa0: {  	v4 =	vadd.f32 v6, v4  }
0xa1: {  	v6 =	vld [tilespmem:s16+$0xA400]  }
0xa2: {  	v4 =	vadd.f32 v7, v4  }
0xa3: {  	v7 =	vld [tilespmem:s16+$0xA800]  }
0xa4: {  	v4 =	vadd.f32 v5, v4  }
0xa5: {  	v5 =	vld [tilespmem:s16+$0xAC00]  }
0xa6: {  	v4 =	vadd.f32 v6, v4  }
0xa7: {  	v6 =	vld [tilespmem:s16+$0xB000]  }
0xa8: {  	v4 =	vadd.f32 v7, v4  }
0xa9: {  	v7 =	vld [tilespmem:s16+$0xB400]  }
0xaa: {  	v4 =	vadd.f32 v5, v4  }
0xab: {  	v5 =	vld [tilespmem:s16+$0xB800]  }
0xac: {  	v4 =	vadd.f32 v6, v4  }
0xad: {  	v6 =	vld [tilespmem:s16+$0xBC00]  }
0xae: {  	v4 =	vadd.f32 v7, v4  }
0xaf: {  	v7 =	vld [tilespmem:s16+$0xC000]  }
0xb0: {  	v4 =	vadd.f32 v5, v4;
	_ =	sdelay $0x1  }
0xb1: {  	v4 =	vadd.f32 v6, v4;
	_ =	sdelay $0x1  }
0xb2: {  	v4 =	vadd.f32 v7, v4  }
0xb3: {  	s15 =	sadd.s32 $0x10, s15  }
0xb4: {  	s26 =	simm.s32 $0x1F0;
	[tilespmem:s15+$0x0] =	vst v4  }
0xb5: {  	v4 =	vld [tilespmem:s26+$0xC400]  }
0xb6: {  	s28 =	simm.s32 $0x1E0  }
0xb7: {  	v5 =	vld [tilespmem:s28+$0xC400];
	_ =	sdelay $0x1  }
0xb8: {  	s29 =	simm.s32 $0x1D0  }
0xb9: {  	v7 =	vld [tilespmem:s29+$0xC400];
	v6 =	vperm.xlane v4, v3  }
0xba: {  	(xrf2) =	vadd.scan.msk.f32 $0xffff, v4  }
0xbb: {  	v4 =	vperm.xlane v5, v3;
	(xrf2) =	vadd.scan.msk.f32 $0xffff, v6  }
0xbc: {  	(xrf2) =	vadd.scan.msk.f32 $0xffff, v5  }
0xbd: {  	(xrf2) =	vadd.scan.msk.f32 $0xffff, v4  }
0xbe: {  	(xrf2) =	vadd.scan.msk.f32 $0xffff, v7;
	_ =	sdelay $0x5  }
0xbf: {  	v5, _, _ =	vpop (xrf2)  }
0xc0: {  	v6 =	vperm.xlane v7, v3;
	v7, _, _ =	vpop (xrf2)  }
0xc1: {  	s30 =	simm.s32 $0x1C0;
	(v2sf) =	vpush v5, $0xF;
	v8, _, _ =	vpop (xrf2)  }
0xc2: {  	v4 =	vld [tilespmem:s30+$0xC400];
	v5, _, _ =	vpop (xrf2)  }
0xc3: {  	(v2sf) =	vpush v8, $0xF;
	v8, _, _ =	vpop (xrf2)  }
0xc4: {  	(v2sf) =	vpush v8, $0xF  }
0xc5: {  	(xrf2) =	vadd.scan.msk.f32 $0xffff, v6;
	_ =	sdelay $0x1  }
0xc6: {  	v6 =	vperm.xlane v4, v3  }
0xc7: {  	s31 =	simm.s32 $0x1B0;
	(xrf2) =	vadd.scan.msk.f32 $0xffff, v4  }
0xc8: {  	(xrf2) =	vadd.scan.msk.f32 $0xffff, v6;
	v6 =	vld [tilespmem:s31+$0xC400];
	_ =	sdelay $0x2  }
0xc9: {  	s15 =	simm.f32 $0.0e+00  }
0xca: {  	s16 =	simm.s32 $0x680;
	v4 =	vimm.s32 $0x0;
	v7 =	vadd.f32 s15, v7  }
.LBB2_9:
0xcb: {  	s17 =	sshra.s32 s16, $0x2;
	p1 =	sne.s32 s16, $0x0;
	s16 =	sadd.s32 $0xFFFFFFC0, s16;
	v8 =	vperm.xlane v6, v3;
	(xrf2) =	vadd.scan.msk.f32 $0xffff, v6  }
.Ltmp6:
0xcc: {  	v6 =	vld [tilespmem:s17+$0xC400];
	v9, _, _ =	vpop (xrf2);
	vm0 =	vge.f32 v7, $2.621400000e+04;
	(pc) =	sbr.rel @p1 .LBB2_9-.Ltmp6, $4  }
0xcd: {  	v7 =	vmpcnt.ones.xlane vm0;
	s17 =	spop (v2sf)  }
0xce: {  	(xrf2) =	vadd.scan.msk.f32 $0xffff, v8;
	s15 =	sadd.f32 s17, s15  }
0xcf: {  	v8, _, _ =	vpop (xrf2);
	v4 =	vadd.s32 v4, v7  }
0xd0: {  	(v2sf) =	vpush v8, $0xF;
	v7 =	vadd.f32 s15, v5;
	v5 =	vmov v9  }
0xd1: {  	_ =	sdelay $0x2  }
0xd2: {  	v8, _, _ =	vpop (xrf2)  }
0xd3: {  	v9, _, _ =	vpop (xrf2)  }
0xd4: {  	(v2sf) =	vpush v9, $0xF;
	_ =	sdelay $0x4  }
0xd5: {  	v59 =	vperm.xlane v6, v3  }
0xd6: {  	(xrf2) =	vadd.scan.msk.f32 $0xffff, v6  }
0xd7: {  	(xrf2) =	vadd.scan.msk.f32 $0xffff, v59;
	_ =	sdelay $0x1  }
0xd8: {  	s16 =	spop (v2sf)  }
0xd9: {  	s15 =	sadd.f32 s16, s15  }
0xda: {  	s18 =	spop (v2sf)  }
0xdb: {  	s16 =	sadd.f32 s18, s15  }
0xdc: {  	v5 =	vadd.f32 s15, v5;
	s17 =	spop (v2sf)  }
0xdd: {  	s17 =	sadd.f32 s17, s16  }
0xde: {  	v6, _, _ =	vpop (xrf2);
	s19 =	spop (v2sf)  }
0xdf: {  	vm0 =	vge.f32 v7, $2.621400000e+04;
	v8 =	vadd.f32 s16, v8;
	v7, _, _ =	vpop (xrf2);
	s15 =	sadd.f32 s19, s17  }
0xe0: {  	v60 =	vmpcnt.ones.xlane vm0;
	vm7 =	vge.f32 v5, $2.621400000e+04;
	v5, _, _ =	vpop (xrf2);
	v6 =	vadd.f32 s17, v6  }
0xe1: {  	v10 =	vmpcnt.ones.xlane vm7;
	vm8 =	vge.f32 v8, $2.621400000e+04;
	v5 =	vadd.f32 s15, v5  }
0xe2: {  	v4 =	vadd.s32 v4, v60;
	v8 =	vmpcnt.ones.xlane vm8;
	vm9 =	vge.f32 v6, $2.621400000e+04  }
0xe3: {  	s20 =	simm.s32 $0xC5F0;
	v4 =	vadd.s32 v4, v10;
	v6 =	vmpcnt.ones.xlane vm9;
	vm10 =	vge.f32 v5, $2.621400000e+04  }
0xe4: {  	v61 =	vld [tilespmem:s20+$0x0];
	v4 =	vadd.s32 v4, v8;
	v5 =	vmpcnt.ones.xlane vm10  }
0xe5: {  	s21 =	simm.s32 $0xC5E0;
	v4 =	vadd.s32 v4, v6  }
0xe6: {  	s22 =	simm.s32 $0xC5D0;
	s23 =	simm.s32 $0x1F0;
	v6 =	vld [tilespmem:s21+$0x0];
	v4 =	vadd.s32 v4, v5  }
0xe7: {  	(v2sf) =	vpush v7, $0xF;
	v7 =	vor.u32 s23, v0;
	v5 =	vld [tilespmem:s22+$0x0];
	v4 =	vadd.s32 $0xFFFFFFFF, v4  }
0xe8: {  	s24 =	simm.s32 $0x1E0;
	vm11 =	vgt.s32 v7, v4  }
0xe9: {  	s25 =	simm.s32 $0x1D0;
	v7 =	vor.u32 s24, v0;
	v8 =	vnsel vm11, $0x0, v61  }
0xea: {  	vm12 =	vgt.s32 v7, v4;
	v7 =	vor.u32 s25, v0;
	(xrf2) =	vadd.scan.msk.f32 $0xffff, v8  }
0xeb: {  	v6 =	vnsel vm12, $0x0, v6;
	vm13 =	vgt.s32 v7, v4  }
0xec: {  	(xrf2) =	vadd.scan.msk.f32 $0xffff, v6;
	v5 =	vnsel vm13, $0x0, v5  }
0xed: {  	(xrf2) =	vadd.scan.msk.f32 $0xffff, v5;
	_ =	sdelay $0x6  }
0xee: {  	v7, _, _ =	vpop (xrf2)  }
0xef: {  	s26 =	simm.s32 $0xC5C0;
	(v2sf) =	vpush v7, $0xF  }
0xf0: {  	v5 =	vld [tilespmem:s26+$0x0];
	v7, _, _ =	vpop (xrf2)  }
0xf1: {  	(v2sf) =	vpush v7, $0xF;
	v7, _, _ =	vpop (xrf2)  }
0xf2: {  	s29 =	simm.s32 $0x1C0;
	s31 =	spop (v2sf);
	(v2sf) =	vpush v7, $0xF  }
0xf3: {  	v62 =	vor.u32 s29, v0  }
0xf4: {  	vm14 =	vgt.s32 v62, v4  }
0xf5: {  	s28 =	simm.s32 $0xC5B0;
	v5 =	vnsel vm14, $0x0, v5  }
0xf6: {  	v6 =	vld [tilespmem:s28+$0x0];
	(xrf2) =	vadd.scan.msk.f32 $0xffff, v5;
	_ =	sdelay $0x1  }
0xf7: {  	s30 =	simm.s32 $0x1B0  }
0xf8: {  	v63 =	vor.u32 s30, v0  }
0xf9: {  	vm15 =	vgt.s32 v63, v4  }
0xfa: {  	s16 =	simm.s32 $0x1A0;
	s17 =	simm.s32 $0xC5A0;
	s15 =	simm.f32 $0.0e+00;
	v5 =	vnsel vm15, $0x0, v6  }
.LBB2_11:
0xfb: {  	v6 =	vld [tilespmem:s17+$0x0];
	p1 =	sne.s32 s16, $0x0;
	(xrf2) =	vadd.scan.msk.f32 $0xffff, v5;
	s18 =	smov.u32 s16;
	s16 =	sadd.s32 $0xFFFFFFF0, s16  }
.Ltmp7:
0xfc: {  	(pc) =	sbr.rel @p1 .LBB2_11-.Ltmp7, $4  }
0xfd: {  	s19 =	spop (v2sf)  }
0xfe: {  	v5 =	vor.u32 s18, v0;
	s15 =	sadd.f32 s19, s15  }
0xff: {  	vm0 =	vgt.s32 v5, v4;
	v7, _, _ =	vpop (xrf2)  }
0x100: {  	s17 =	sadd.s32 $0xFFFFFFF0, s17;
	v5 =	vnsel vm0, $0x0, v6;
	(v2sf) =	vpush v7, $0xF  }
0x101: {  	(xrf2) =	vadd.scan.msk.f32 $0xffff, v5;
	_ =	sdelay $0x7  }
0x102: {  	v5, _, _ =	vpop (xrf2)  }
0x103: {  	(v2sf) =	vpush v5, $0xF  }
0x104: {  	v5, _, _ =	vpop (xrf2)  }
0x105: {  	(v2sf) =	vpush v5, $0xF;
	_ =	sdelay $0x6  }
0x106: {  	s16 =	spop (v2sf)  }
0x107: {  	s15 =	sadd.f32 s16, s15  }
0x108: {  	s23 =	spop (v2sf)  }
0x109: {  	s15 =	sadd.f32 s23, s15  }
0x10a: {  	s24 =	spop (v2sf)  }
0x10b: {  	s15 =	sadd.f32 s24, s15  }
0x10c: {  	s25 =	spop (v2sf)  }
0x10d: {  	s15 =	sadd.f32 s25, s15  }
0x10e: {  	s26 =	spop (v2sf)  }
0x10f: {  	s15 =	sadd.f32 s26, s15;
	_ =	sdelay $0x1  }
0x110: {  	s15 =	scvt.f32.s32 s15  }
0x111: {  	v4 =	vshll.u32 v4, $0x16  }
0x112: {  	[tilespmem:$0xC800] =	vst v4;
	v4 =	vmov s15  }
0x113: {  	s28 =	simm.s32 $0x3F0;
	[tilespmem:$0xC810] =	vst v4  }
0x114: {  	v4 =	vld [tilespmem:s28+$0xC400]  }
0x115: {  	s29 =	simm.s32 $0x3E0  }
0x116: {  	v5 =	vld [tilespmem:s29+$0xC400];
	_ =	sdelay $0x1  }
0x117: {  	s30 =	simm.s32 $0x3D0  }
0x118: {  	v7 =	vld [tilespmem:s30+$0xC400];
	v6 =	vperm.xlane v4, v3  }
0x119: {  	(xrf2) =	vadd.scan.msk.f32 $0xffff, v4  }
0x11a: {  	v4 =	vperm.xlane v5, v3;
	(xrf2) =	vadd.scan.msk.f32 $0xffff, v6  }
0x11b: {  	(xrf2) =	vadd.scan.msk.f32 $0xffff, v5  }
0x11c: {  	(xrf2) =	vadd.scan.msk.f32 $0xffff, v4  }
0x11d: {  	(xrf2) =	vadd.scan.msk.f32 $0xffff, v7;
	_ =	sdelay $0x5  }
0x11e: {  	v5, _, _ =	vpop (xrf2)  }
0x11f: {  	v6 =	vperm.xlane v7, v3;
	v7, _, _ =	vpop (xrf2)  }
0x120: {  	s31 =	simm.s32 $0x3C0;
	(v2sf) =	vpush v5, $0xF;
	v8, _, _ =	vpop (xrf2)  }
0x121: {  	v4 =	vld [tilespmem:s31+$0xC400];
	v5, _, _ =	vpop (xrf2)  }
0x122: {  	(v2sf) =	vpush v8, $0xF;
	v8, _, _ =	vpop (xrf2)  }
0x123: {  	(v2sf) =	vpush v8, $0xF  }
0x124: {  	(xrf2) =	vadd.scan.msk.f32 $0xffff, v6;
	_ =	sdelay $0x1  }
0x125: {  	v6 =	vperm.xlane v4, v3  }
0x126: {  	s17 =	simm.s32 $0x3B0;
	(xrf2) =	vadd.scan.msk.f32 $0xffff, v4  }
0x127: {  	(xrf2) =	vadd.scan.msk.f32 $0xffff, v6;
	v6 =	vld [tilespmem:s17+$0xC400];
	_ =	sdelay $0x2  }
0x128: {  	s15 =	simm.f32 $0.0e+00  }
0x129: {  	s16 =	simm.s32 $0xE80;
	v4 =	vimm.s32 $0x0;
	v7 =	vadd.f32 s15, v7  }
.LBB2_13:
0x12a: {  	s17 =	sshra.s32 s16, $0x2;
	p1 =	sne.s32 s16, $0x800;
	s16 =	sadd.s32 $0xFFFFFFC0, s16;
	v8 =	vperm.xlane v6, v3;
	(xrf2) =	vadd.scan.msk.f32 $0xffff, v6  }
.Ltmp8:
0x12b: {  	v6 =	vld [tilespmem:s17+$0xC400];
	v9, _, _ =	vpop (xrf2);
	vm0 =	vge.f32 v7, $2.621400000e+04;
	(pc) =	sbr.rel @p1 .LBB2_13-.Ltmp8, $4  }
0x12c: {  	v7 =	vmpcnt.ones.xlane vm0;
	s17 =	spop (v2sf)  }
0x12d: {  	(xrf2) =	vadd.scan.msk.f32 $0xffff, v8;
	s15 =	sadd.f32 s17, s15  }
0x12e: {  	v8, _, _ =	vpop (xrf2);
	v4 =	vadd.s32 v4, v7  }
0x12f: {  	(v2sf) =	vpush v8, $0xF;
	v7 =	vadd.f32 s15, v5;
	v5 =	vmov v9  }
0x130: {  	_ =	sdelay $0x2  }
0x131: {  	v8, _, _ =	vpop (xrf2)  }
0x132: {  	v9, _, _ =	vpop (xrf2)  }
0x133: {  	(v2sf) =	vpush v9, $0xF;
	_ =	sdelay $0x4  }
0x134: {  	v59 =	vperm.xlane v6, v3  }
0x135: {  	(xrf2) =	vadd.scan.msk.f32 $0xffff, v6  }
0x136: {  	(xrf2) =	vadd.scan.msk.f32 $0xffff, v59;
	_ =	sdelay $0x1  }
0x137: {  	s16 =	spop (v2sf)  }
0x138: {  	s15 =	sadd.f32 s16, s15  }
0x139: {  	s18 =	spop (v2sf)  }
0x13a: {  	s16 =	sadd.f32 s18, s15  }
0x13b: {  	v5 =	vadd.f32 s15, v5;
	s17 =	spop (v2sf)  }
0x13c: {  	s17 =	sadd.f32 s17, s16  }
0x13d: {  	v6, _, _ =	vpop (xrf2);
	s19 =	spop (v2sf)  }
0x13e: {  	vm0 =	vge.f32 v7, $2.621400000e+04;
	v8 =	vadd.f32 s16, v8;
	v7, _, _ =	vpop (xrf2);
	s15 =	sadd.f32 s19, s17  }
0x13f: {  	v60 =	vmpcnt.ones.xlane vm0;
	vm7 =	vge.f32 v5, $2.621400000e+04;
	v5, _, _ =	vpop (xrf2);
	v6 =	vadd.f32 s17, v6  }
0x140: {  	v10 =	vmpcnt.ones.xlane vm7;
	vm8 =	vge.f32 v8, $2.621400000e+04;
	v5 =	vadd.f32 s15, v5  }
0x141: {  	v4 =	vadd.s32 v4, v60;
	v8 =	vmpcnt.ones.xlane vm8;
	vm9 =	vge.f32 v6, $2.621400000e+04  }
0x142: {  	s20 =	simm.s32 $0xC7F0;
	v4 =	vadd.s32 v4, v10;
	v6 =	vmpcnt.ones.xlane vm9;
	vm10 =	vge.f32 v5, $2.621400000e+04  }
0x143: {  	v61 =	vld [tilespmem:s20+$0x0];
	v4 =	vadd.s32 v4, v8;
	v5 =	vmpcnt.ones.xlane vm10  }
0x144: {  	s21 =	simm.s32 $0xC7E0;
	v4 =	vadd.s32 v4, v6  }
0x145: {  	s22 =	simm.s32 $0xC7D0;
	s23 =	simm.s32 $0x1F0;
	v6 =	vld [tilespmem:s21+$0x0];
	v4 =	vadd.s32 v4, v5  }
0x146: {  	(v2sf) =	vpush v7, $0xF;
	v7 =	vor.u32 s23, v0;
	v5 =	vld [tilespmem:s22+$0x0];
	v4 =	vadd.s32 $0xFFFFFFFF, v4  }
0x147: {  	s24 =	simm.s32 $0x1E0;
	vm11 =	vgt.s32 v7, v4  }
0x148: {  	s25 =	simm.s32 $0x1D0;
	v7 =	vor.u32 s24, v0;
	v8 =	vnsel vm11, $0x0, v61  }
0x149: {  	vm12 =	vgt.s32 v7, v4;
	v7 =	vor.u32 s25, v0;
	(xrf2) =	vadd.scan.msk.f32 $0xffff, v8  }
0x14a: {  	v6 =	vnsel vm12, $0x0, v6;
	vm13 =	vgt.s32 v7, v4  }
0x14b: {  	(xrf2) =	vadd.scan.msk.f32 $0xffff, v6;
	v5 =	vnsel vm13, $0x0, v5  }
0x14c: {  	(xrf2) =	vadd.scan.msk.f32 $0xffff, v5;
	_ =	sdelay $0x6  }
0x14d: {  	v7, _, _ =	vpop (xrf2)  }
0x14e: {  	s26 =	simm.s32 $0xC7C0;
	(v2sf) =	vpush v7, $0xF  }
0x14f: {  	v5 =	vld [tilespmem:s26+$0x0];
	v7, _, _ =	vpop (xrf2)  }
0x150: {  	(v2sf) =	vpush v7, $0xF;
	v7, _, _ =	vpop (xrf2)  }
0x151: {  	s29 =	simm.s32 $0x1C0;
	s31 =	spop (v2sf);
	(v2sf) =	vpush v7, $0xF  }
0x152: {  	v62 =	vor.u32 s29, v0  }
0x153: {  	vm14 =	vgt.s32 v62, v4  }
0x154: {  	s28 =	simm.s32 $0xC7B0;
	v5 =	vnsel vm14, $0x0, v5  }
0x155: {  	v6 =	vld [tilespmem:s28+$0x0];
	(xrf2) =	vadd.scan.msk.f32 $0xffff, v5;
	_ =	sdelay $0x1  }
0x156: {  	s30 =	simm.s32 $0x1B0  }
0x157: {  	v63 =	vor.u32 s30, v0  }
0x158: {  	vm15 =	vgt.s32 v63, v4  }
0x159: {  	s16 =	simm.s32 $0x1A0;
	s17 =	simm.s32 $0xC7A0;
	s15 =	simm.f32 $0.0e+00;
	v5 =	vnsel vm15, $0x0, v6  }
.LBB2_15:
0x15a: {  	v6 =	vld [tilespmem:s17+$0x0];
	p1 =	sne.s32 s16, $0x0;
	(xrf2) =	vadd.scan.msk.f32 $0xffff, v5;
	s18 =	smov.u32 s16;
	s16 =	sadd.s32 $0xFFFFFFF0, s16  }
.Ltmp9:
0x15b: {  	(pc) =	sbr.rel @p1 .LBB2_15-.Ltmp9, $4  }
0x15c: {  	s19 =	spop (v2sf)  }
0x15d: {  	v5 =	vor.u32 s18, v0;
	s15 =	sadd.f32 s19, s15  }
0x15e: {  	vm0 =	vgt.s32 v5, v4;
	v7, _, _ =	vpop (xrf2)  }
0x15f: {  	s17 =	sadd.s32 $0xFFFFFFF0, s17;
	v5 =	vnsel vm0, $0x0, v6;
	(v2sf) =	vpush v7, $0xF  }
0x160: {  	(xrf2) =	vadd.scan.msk.f32 $0xffff, v5;
	_ =	sdelay $0x7  }
0x161: {  	v5, _, _ =	vpop (xrf2)  }
0x162: {  	(v2sf) =	vpush v5, $0xF  }
0x163: {  	v5, _, _ =	vpop (xrf2)  }
0x164: {  	(v2sf) =	vpush v5, $0xF;
	_ =	sdelay $0x6  }
0x165: {  	s16 =	spop (v2sf)  }
0x166: {  	s15 =	sadd.f32 s16, s15  }
0x167: {  	s28 =	spop (v2sf)  }
0x168: {  	s15 =	sadd.f32 s28, s15  }
0x169: {  	s29 =	spop (v2sf)  }
0x16a: {  	s15 =	sadd.f32 s29, s15  }
0x16b: {  	s30 =	spop (v2sf)  }
0x16c: {  	s15 =	sadd.f32 s30, s15  }
0x16d: {  	s31 =	spop (v2sf)  }
0x16e: {  	s15 =	sadd.f32 s31, s15;
	_ =	sdelay $0x1  }
0x16f: {  	s15 =	scvt.f32.s32 s15  }
0x170: {  	v4 =	vshll.u32 v4, $0x16  }
0x171: {  	[tilespmem:$0xC820] =	vst v4;
	v4 =	vmov s15  }
.Ltmp10:
0x172: {  	[tilespmem:$0xC830] =	vst v4;
	(pc) =	sbr.rel .LBB2_17-.Ltmp10, $4  }
0x173: {  	[hbm4b:s6+s2] =	stream.linear.scatter [tilespmem:s13], [sflag:$0x1], $0x40, $0x38;
	[tilespmem:$0xCC80] =	vst v63  }
0x174: {  	_ =	swait.ge [sflag:s10], $0x40  }
0x175: {  	[sflag:s10] =	ssyncset.done $0x0  }
0x176: {  	[sflag:s10] =	ssyncadd.s32 $0xFFFFFFC0  }
.LBB2_18:
0x177: {  	_ =	sfence.sel $0x180000  }
0x178: {  	[bflag:$0x0] =	sbarrier.arrive $0xFFFF  }
0x179: {  	_ =	strace $0x90000047  }
0x17a: {  	s0 =	sadd.s32 @!p0 $0x100000, s0;
	[bflag:$0x2] =	sbarrier.arrive $0xFFFF  }
0x17b: {  	[sflag:s0] =	ssyncadd.tile.s32 @!p0 $0x1;
	_ =	shalt  }
.Lfunc_end2:
_tile_overlayer_lowered:
.L_overlay_start_2:
0x17c: {  	(tag) =	ssettag $0x2  }
0x17d: {  	s0 =	rddreg [dreg:$0x0];
	s2 =	stileid.u32  }
0x17e: {  	s1 =	rddreg [dreg:$0x1];
	p0 =	sne.s32 s2, $0x0  }
0x17f: {  	s3 =	rddreg [dreg:$0x2];
	[bflag:$0x3] =	sbarrier.arrive $0xFFFF;
	s2 =	simm.s32 @!p0 $0x1C01  }
0x180: {  	[timem:s3], [sflag:s2] =	dma.local @!p0 [hbm:s0], s1  }
0x181: {  	s0 =	simm.s32 @!p0 $0x1  }
0x182: {  	_ =	swait.ge @!p0 [sflag:s0], s1  }
0x183: {  	s1 =	ssub.s32 @!p0 $0x0, s1;
	[sflag:s0] =	ssyncset.done @!p0 $0x0  }
0x184: {  	[sflag:s0] =	ssyncadd.s32 @!p0 s1  }
0x185: {  	[bflag:$0x3] =	sbarrier.arrive $0xFFFF  }
0x186: {  	_ =	shalt  }

</sc_bundles>
